<compile_context>
chip_gen: v7x
topology: tpu7x:2x2x1
jax: 0.10.2.dev20260603
libtpu: 0.0.44.dev20260713+nightly
codegen_flags: <defaults>
</compile_context>

<pallas_src>
import jax
import jax.numpy as jnp
from jax import lax
from jax.experimental import pallas as pl
from jax.experimental.pallas import tpu as pltpu
from jax.experimental.pallas import tpu_sc as plsc

N = 10000
NP = 10240
E = 160000
D = 256
DH = D // 2
NSC = 16
EPS = E // NSC
K = 80
NB = EPS // K
NW = 25
RPS = NP // NSC
RB = 2000


def _stage1_body(x_ref, w_ref, b_ref, c_ref, t0_ref, t1_ref):
    x = x_ref[...]
    c = c_ref[0, 0]
    sq = jnp.sqrt(c)
    nrm = jnp.sqrt(jnp.sum(x * x, axis=1, keepdims=True))
    z = sq * nrm
    atz = 0.5 * jnp.log((1.0 + z) / (1.0 - z))
    tang = x * (2.0 / sq * atz / nrm)
    res = lax.dot_general(tang, w_ref[...], (((1,), (1,)), ((), ())),
                          preferred_element_type=jnp.float32) + b_ref[...]
    t0_ref[...] = res[:, :DH]
    t1_ref[...] = res[:, DH:]


def _transform(x, w, b2, c2):
    return pl.pallas_call(
        _stage1_body,
        grid=(N // RB,),
        in_specs=[
            pl.BlockSpec((RB, D), lambda i: (i, 0)),
            pl.BlockSpec((D, D), lambda i: (0, 0)),
            pl.BlockSpec((1, D), lambda i: (0, 0)),
            pl.BlockSpec(memory_space=pltpu.SMEM),
        ],
        out_specs=[
            pl.BlockSpec((RB, DH), lambda i: (i, 0)),
            pl.BlockSpec((RB, DH), lambda i: (i, 0)),
        ],
        out_shape=[
            jax.ShapeDtypeStruct((N, DH), jnp.float32),
            jax.ShapeDtypeStruct((N, DH), jnp.float32),
        ],
    )(x, w, b2, c2)


def _sc_body(t0_hbm, t1_hbm, ei_hbm, s0_hbm, s1_hbm, cnt_hbm,
             acc, cacc, sidx, didx, r0, r1, r2, ones,
             sem0, sem1, sem2, semc, semi):
    cid = lax.axis_index("c")
    sid = lax.axis_index("s")
    base = sid * RPS

    def fz(i, _):
        for j in range(DH // 16):
            r0[i, pl.ds(j * 16, 16)] = jnp.zeros((16,), jnp.float32)
        ones[i] = jnp.zeros((16,), jnp.float32)
        return 0
    lax.fori_loop(0, K, fz, 0)

    for k in range(RPS // K):
        pltpu.sync_copy(r0, acc.at[pl.ds(base + k * K, K)])

    @pl.when(cid == 0)
    def _():
        for k in range(RPS // K):
            pltpu.sync_copy(ones, cacc.at[pl.ds(base + k * K, K)])

    def fo(i, _):
        ones[i] = jnp.ones((16,), jnp.float32)
        return 0
    lax.fori_loop(0, K, fo, 0)

    plsc.subcore_barrier()

    bufs = (r0, r1, r2)
    sems = (sem0, sem1, sem2)

    def do_edges(t_hbm, with_cnt):
        def gather(i, r):
            pltpu.async_copy(t_hbm.at[sidx.at[i]], bufs[r], sems[r])

        def gwait(r):
            pltpu.make_async_copy(t_hbm.at[pl.ds(0, K)], bufs[r], sems[r]).wait()

        def scatter(i, r):
            pltpu.sync_copy(bufs[r], acc.at[didx.at[i]], add=True)
            if with_cnt:
                pltpu.async_copy(ones, cacc.at[didx.at[i]], semc, add=True)

        def iwait():
            pltpu.make_async_copy(ei_hbm.at[0, sid, pl.ds(0, NW)], sidx,
                                  semi).wait()

        def window(w, _):
            @pl.when(w == 0)
            def _():
                pltpu.sync_copy(ei_hbm.at[0, sid, pl.ds(w * NW, NW)], sidx)
                pltpu.sync_copy(ei_hbm.at[1, sid, pl.ds(w * NW, NW)], didx)

            @pl.when(w > 0)
            def _():
                iwait()
                iwait()
            gather(0, 0)
            gather(1, 1)

            def body(j, _):
                i0 = 3 * j
                for r in range(3):
                    i = i0 + r
                    gwait(r)

                    @pl.when(i + 2 < NW)
                    def _():
                        gather(i + 2, (r + 2) % 3)
                    scatter(i, r)
                return 0
            lax.fori_loop(0, NW // 3, body, 0)
            gwait(0)

            @pl.when(w + 1 < NB // NW)
            def _():
                pltpu.async_copy(ei_hbm.at[0, sid, pl.ds((w + 1) * NW, NW)],
                                 sidx, semi)
            scatter(NW - 1, 0)
            if with_cnt:
                def drain(_, __):
                    pltpu.make_async_copy(cnt_hbm.at[pl.ds(0, K)],
                                          cacc.at[pl.ds(0, K)], semc).wait()
                    return 0
                lax.fori_loop(0, NW, drain, 0)

            @pl.when(w + 1 < NB // NW)
            def _():
                pltpu.async_copy(ei_hbm.at[1, sid, pl.ds((w + 1) * NW, NW)],
                                 didx, semi)
            return 0
        lax.fori_loop(0, NB // NW, window, 0)

    @pl.when(cid == 0)
    def _():
        do_edges(t0_hbm, True)
        plsc.subcore_barrier()
        pltpu.sync_copy(acc.at[pl.ds(base, RPS)], s0_hbm.at[pl.ds(base, RPS)])
        pltpu.sync_copy(cacc.at[pl.ds(base, RPS)], cnt_hbm.at[pl.ds(base, RPS)])

    @pl.when(cid == 1)
    def _():
        do_edges(t1_hbm, False)
        plsc.subcore_barrier()
        pltpu.sync_copy(acc.at[pl.ds(base, RPS)], s1_hbm.at[pl.ds(base, RPS)])


def _scatter_mean(t0, t1, ei4):
    mesh = plsc.VectorSubcoreMesh(core_axis_name="c", subcore_axis_name="s")
    f = pl.kernel(
        _sc_body,
        out_type=[
            jax.ShapeDtypeStruct((NP, DH), jnp.float32),
            jax.ShapeDtypeStruct((NP, DH), jnp.float32),
            jax.ShapeDtypeStruct((NP, 16), jnp.float32),
        ],
        mesh=mesh,
        scratch_types=[
            pltpu.VMEM_SHARED((NP, DH), jnp.float32),
            pltpu.VMEM_SHARED((NP, 16), jnp.float32),
            pltpu.VMEM((NW, K), jnp.int32),
            pltpu.VMEM((NW, K), jnp.int32),
            pltpu.VMEM((K, DH), jnp.float32),
            pltpu.VMEM((K, DH), jnp.float32),
            pltpu.VMEM((K, DH), jnp.float32),
            pltpu.VMEM((K, 16), jnp.float32),
            pltpu.SemaphoreType.DMA,
            pltpu.SemaphoreType.DMA,
            pltpu.SemaphoreType.DMA,
            pltpu.SemaphoreType.DMA,
            pltpu.SemaphoreType.DMA,
        ],
        compiler_params=pltpu.CompilerParams(use_tc_tiling_on_sc=False),
    )
    return f(t0, t1, ei4)


def _stage3_body(s0_ref, s1_ref, cnt_ref, c_ref, out_ref):
    s = jnp.concatenate([s0_ref[...], s1_ref[...]], axis=1)
    cntv = cnt_ref[:, 0:1]
    neigh = s / jnp.maximum(cntv, 1.0)
    c = c_ref[0, 0]
    sq = jnp.sqrt(c)
    nv = jnp.sqrt(jnp.sum(neigh * neigh, axis=1, keepdims=True))
    out_ref[...] = jnp.tanh(sq * nv * 0.5) * neigh / (sq * nv)


def _expmap(s0, s1, cnt, c2):
    return pl.pallas_call(
        _stage3_body,
        grid=(N // RB,),
        in_specs=[
            pl.BlockSpec((RB, DH), lambda i: (i, 0)),
            pl.BlockSpec((RB, DH), lambda i: (i, 0)),
            pl.BlockSpec((RB, 16), lambda i: (i, 0)),
            pl.BlockSpec(memory_space=pltpu.SMEM),
        ],
        out_specs=pl.BlockSpec((RB, D), lambda i: (i, 0)),
        out_shape=jax.ShapeDtypeStruct((N, D), jnp.float32),
    )(s0, s1, cnt, c2)


def kernel(node_embeddings, edge_index, lin_w, lin_b, curvature):
    c2 = curvature.reshape(1, 1)
    b2 = lin_b.reshape(1, D)
    t0, t1 = _transform(node_embeddings, lin_w, b2, c2)
    ei4 = edge_index.reshape(2, NSC, NB, K)
    s0, s1, cnt = _scatter_mean(t0, t1, ei4)
    return _expmap(s0, s1, cnt, c2)

# --- scband reference (transcript-rebuilt; emitter-appended) ---
"""Pipeline reference for scband-hgwave-net-47596827574592 (READ-ONLY COPY).

The authoritative reference and input builder live on the scoring server;
editing this copy changes nothing except your own understanding.
"""

import jax, jax.numpy as jnp
import numpy as np

N = 10000
E = 160000
D = 256

def mobius_addition(x, y, c):
    xy_dot = jnp.sum(x * y, axis=-1, keepdims=True)
    x_norm_sq = jnp.sum(x ** 2, axis=-1, keepdims=True)
    y_norm_sq = jnp.sum(y ** 2, axis=-1, keepdims=True)
    numerator = (1 + 2 * c * xy_dot + c * y_norm_sq) * x + (1 - c * x_norm_sq) * y
    denominator = 1 + 2 * c * xy_dot + c * c * x_norm_sq * y_norm_sq
    return numerator / denominator

def exp_map(x, v, c):
    v_norm = jnp.linalg.norm(v, axis=-1, keepdims=True)
    second_term = jnp.tanh(jnp.sqrt(c) * v_norm / 2) * v / (jnp.sqrt(c) * v_norm)
    return mobius_addition(x, second_term, c)

def log_map(x, y, c):
    addition = mobius_addition(-x, y, c)
    addition_norm = jnp.linalg.norm(addition, axis=-1, keepdims=True)
    return 2 / jnp.sqrt(c) * jnp.arctanh(jnp.sqrt(c) * addition_norm) * addition / addition_norm


def setup_inputs(seed: int = 0) -> dict:
    key = jax.random.key(seed)
    k1, k2, k3, k4 = jax.random.split(key, 4)
    edge_index = jax.random.randint(k1, (2, E), 0, N, dtype=jnp.int32)
    # node_embeddings parameter; scaled so Poincare-ball norms < 1 (atanh domain)
    node_embeddings = jax.random.normal(k2, (N, D), dtype=jnp.float32) * 0.01
    # nn.Linear(D, D) params
    bound = 1.0 / np.sqrt(D)
    lin_w = jax.random.uniform(k3, (D, D), dtype=jnp.float32, minval=-bound, maxval=bound)
    lin_b = jax.random.uniform(k4, (D,), dtype=jnp.float32, minval=-bound, maxval=bound)
    curvature = jnp.array([1.0], dtype=jnp.float32)
    return {"node_embeddings": node_embeddings, "edge_index": edge_index,
            "lin_w": lin_w, "lin_b": lin_b, "curvature": curvature}


def reference(node_embeddings, edge_index, lin_w, lin_b, curvature):
    # HGWaveNet.forward with empty history: updated_emb = hdgc(graph, node_embeddings, curvature)
    c = curvature
    x = node_embeddings
    origin = jnp.zeros_like(x[0])[None, :]
    tangent_x = log_map(origin, x, c)
    transformed_x = tangent_x @ lin_w.T + lin_b
    src = edge_index[0]
    dst = edge_index[1]
    # dgl update_all(copy_u, mean): mean of in-edge source messages per dst node
    msg = jnp.take(transformed_x, src, axis=0)
    sums = jax.ops.segment_sum(msg, dst, num_segments=N)
    counts = jax.ops.segment_sum(jnp.ones((E,), dtype=transformed_x.dtype), dst, num_segments=N)
    neigh_x = sums / jnp.maximum(counts[:, None], 1.0)
    new_x = exp_map(origin, neigh_x, c)
    return new_x

if __name__ == "__main__":
    import jax
    _d = setup_inputs()
    print(jax.jit(kernel)(*tuple(_d.values())))

</pallas_src>

<mosaic_0001>
#map = affine_map<(d0, d1) -> (0, 0)>
#map1 = affine_map<(d0, d1) -> (0, 0, 0, 0)>
module attributes {stable_mosaic.version = 14 : i64} {
  func.func @_sc_body(%arg0: i32, %arg1: i32, %arg2: memref<10000x128xf32, #tpu.memory_space<hbm>>, %arg3: memref<10000x128xf32, #tpu.memory_space<hbm>>, %arg4: memref<2x16x125x80xi32, #tpu.memory_space<hbm>>, %arg5: memref<10240x128xf32, #tpu.memory_space<hbm>>, %arg6: memref<10240x128xf32, #tpu.memory_space<hbm>>, %arg7: memref<10240x16xf32, #tpu.memory_space<hbm>>, %arg8: memref<10240x128xf32, #tpu.memory_space<vmem_shared>>, %arg9: memref<10240x16xf32, #tpu.memory_space<vmem_shared>>, %arg10: memref<25x80xi32, #tpu.memory_space<vmem>>, %arg11: memref<25x80xi32, #tpu.memory_space<vmem>>, %arg12: memref<80x128xf32, #tpu.memory_space<vmem>>, %arg13: memref<80x128xf32, #tpu.memory_space<vmem>>, %arg14: memref<80x128xf32, #tpu.memory_space<vmem>>, %arg15: memref<80x16xf32, #tpu.memory_space<vmem>>, %arg16: memref<!tpu.dma_semaphore, #tpu.memory_space<semaphore_mem>>, %arg17: memref<!tpu.dma_semaphore, #tpu.memory_space<semaphore_mem>>, %arg18: memref<!tpu.dma_semaphore, #tpu.memory_space<semaphore_mem>>, %arg19: memref<!tpu.dma_semaphore, #tpu.memory_space<semaphore_mem>>, %arg20: memref<!tpu.dma_semaphore, #tpu.memory_space<semaphore_mem>>) attributes {dimension_semantics = [#tpu.dimension_semantics<core_parallel>, #tpu.dimension_semantics<subcore_parallel>], iteration_bounds = array<i64: 2, 16>, scalar_prefetch = 0 : i64, scratch_operands = 13 : i64, tpu.core_type = #tpu.core_type<sc_vector_subcore>, window_params = [{transform_indices = #map}, {transform_indices = #map}, {transform_indices = #map1}, {transform_indices = #map}, {transform_indices = #map}, {transform_indices = #map}]} {
    %mul3A = arith.constant 640 : i32
    %mul3A_0 = arith.muli %arg1, %mul3A : i32
    %scan3A = arith.constant 0 : i32
    %scan3A_1 = arith.constant 0 : i32
    %scan3A_2 = arith.constant 80 : i32
    %scan3A_3 = arith.addi %scan3A_1, %scan3A_2 : i32
    %scan3A_4 = arith.constant 1 : i32
    %scan3A_5 = scf.for %scan3A_41 = %scan3A_1 to %scan3A_3 step %scan3A_4 iter_args(%scan3A_42 = %scan3A) -> (i32)  : i32 {
      %broadcast_in_dim3A = arith.constant 0.000000e+00 : f32
      %broadcast_in_dim3A_43 = vector.broadcast %broadcast_in_dim3A : f32 to vector<16xf32>
      %swap3A = arith.index_cast %scan3A_41 : i32 to index
      %swap3A_44 = arith.constant 0 : index
      %swap3A_45 = tpu.vector_load %arg12[%swap3A, %swap3A_44] {strides = array<i32>} : memref<80x128xf32, #tpu.memory_space<vmem>>, vector<1x16xf32>,
      %swap3A_46 = vector.shape_cast %swap3A_45 : vector<1x16xf32> to vector<16xf32>
      %swap3A_47 = vector.shape_cast %broadcast_in_dim3A_43 : vector<16xf32> to vector<1x16xf32>
      tpu.vector_store %arg12[%swap3A, %swap3A_44], %swap3A_47 {strides = array<i32>} : memref<80x128xf32, #tpu.memory_space<vmem>>, vector<1x16xf32>,
      %broadcast_in_dim3A_48 = arith.constant 0.000000e+00 : f32
      %broadcast_in_dim3A_49 = vector.broadcast %broadcast_in_dim3A_48 : f32 to vector<16xf32>
      %swap3A_50 = arith.index_cast %scan3A_41 : i32 to index
      %swap3A_51 = arith.constant 16 : index
      %swap3A_52 = tpu.vector_load %arg12[%swap3A_50, %swap3A_51] {strides = array<i32>} : memref<80x128xf32, #tpu.memory_space<vmem>>, vector<1x16xf32>,
      %swap3A_53 = vector.shape_cast %swap3A_52 : vector<1x16xf32> to vector<16xf32>
      %swap3A_54 = vector.shape_cast %broadcast_in_dim3A_49 : vector<16xf32> to vector<1x16xf32>
      tpu.vector_store %arg12[%swap3A_50, %swap3A_51], %swap3A_54 {strides = array<i32>} : memref<80x128xf32, #tpu.memory_space<vmem>>, vector<1x16xf32>,
      %broadcast_in_dim3A_55 = arith.constant 0.000000e+00 : f32
      %broadcast_in_dim3A_56 = vector.broadcast %broadcast_in_dim3A_55 : f32 to vector<16xf32>
      %swap3A_57 = arith.index_cast %scan3A_41 : i32 to index
      %swap3A_58 = arith.constant 32 : index
      %swap3A_59 = tpu.vector_load %arg12[%swap3A_57, %swap3A_58] {strides = array<i32>} : memref<80x128xf32, #tpu.memory_space<vmem>>, vector<1x16xf32>,
      %swap3A_60 = vector.shape_cast %swap3A_59 : vector<1x16xf32> to vector<16xf32>
      %swap3A_61 = vector.shape_cast %broadcast_in_dim3A_56 : vector<16xf32> to vector<1x16xf32>
      tpu.vector_store %arg12[%swap3A_57, %swap3A_58], %swap3A_61 {strides = array<i32>} : memref<80x128xf32, #tpu.memory_space<vmem>>, vector<1x16xf32>,
      %broadcast_in_dim3A_62 = arith.constant 0.000000e+00 : f32
      %broadcast_in_dim3A_63 = vector.broadcast %broadcast_in_dim3A_62 : f32 to vector<16xf32>
      %swap3A_64 = arith.index_cast %scan3A_41 : i32 to index
      %swap3A_65 = arith.constant 48 : index
      %swap3A_66 = tpu.vector_load %arg12[%swap3A_64, %swap3A_65] {strides = array<i32>} : memref<80x128xf32, #tpu.memory_space<vmem>>, vector<1x16xf32>,
      %swap3A_67 = vector.shape_cast %swap3A_66 : vector<1x16xf32> to vector<16xf32>
      %swap3A_68 = vector.shape_cast %broadcast_in_dim3A_63 : vector<16xf32> to vector<1x16xf32>
      tpu.vector_store %arg12[%swap3A_64, %swap3A_65], %swap3A_68 {strides = array<i32>} : memref<80x128xf32, #tpu.memory_space<vmem>>, vector<1x16xf32>,
      %broadcast_in_dim3A_69 = arith.constant 0.000000e+00 : f32
      %broadcast_in_dim3A_70 = vector.broadcast %broadcast_in_dim3A_69 : f32 to vector<16xf32>
      %swap3A_71 = arith.index_cast %scan3A_41 : i32 to index
      %swap3A_72 = arith.constant 64 : index
      %swap3A_73 = tpu.vector_load %arg12[%swap3A_71, %swap3A_72] {strides = array<i32>} : memref<80x128xf32, #tpu.memory_space<vmem>>, vector<1x16xf32>,
      %swap3A_74 = vector.shape_cast %swap3A_73 : vector<1x16xf32> to vector<16xf32>
      %swap3A_75 = vector.shape_cast %broadcast_in_dim3A_70 : vector<16xf32> to vector<1x16xf32>
      tpu.vector_store %arg12[%swap3A_71, %swap3A_72], %swap3A_75 {strides = array<i32>} : memref<80x128xf32, #tpu.memory_space<vmem>>, vector<1x16xf32>,
      %broadcast_in_dim3A_76 = arith.constant 0.000000e+00 : f32
      %broadcast_in_dim3A_77 = vector.broadcast %broadcast_in_dim3A_76 : f32 to vector<16xf32>
      %swap3A_78 = arith.index_cast %scan3A_41 : i32 to index
      %swap3A_79 = arith.constant 80 : index
      %swap3A_80 = tpu.vector_load %arg12[%swap3A_78, %swap3A_79] {strides = array<i32>} : memref<80x128xf32, #tpu.memory_space<vmem>>, vector<1x16xf32>,
      %swap3A_81 = vector.shape_cast %swap3A_80 : vector<1x16xf32> to vector<16xf32>
      %swap3A_82 = vector.shape_cast %broadcast_in_dim3A_77 : vector<16xf32> to vector<1x16xf32>
      tpu.vector_store %arg12[%swap3A_78, %swap3A_79], %swap3A_82 {strides = array<i32>} : memref<80x128xf32, #tpu.memory_space<vmem>>, vector<1x16xf32>,
      %broadcast_in_dim3A_83 = arith.constant 0.000000e+00 : f32
      %broadcast_in_dim3A_84 = vector.broadcast %broadcast_in_dim3A_83 : f32 to vector<16xf32>
      %swap3A_85 = arith.index_cast %scan3A_41 : i32 to index
      %swap3A_86 = arith.constant 96 : index
      %swap3A_87 = tpu.vector_load %arg12[%swap3A_85, %swap3A_86] {strides = array<i32>} : memref<80x128xf32, #tpu.memory_space<vmem>>, vector<1x16xf32>,
      %swap3A_88 = vector.shape_cast %swap3A_87 : vector<1x16xf32> to vector<16xf32>
      %swap3A_89 = vector.shape_cast %broadcast_in_dim3A_84 : vector<16xf32> to vector<1x16xf32>
      tpu.vector_store %arg12[%swap3A_85, %swap3A_86], %swap3A_89 {strides = array<i32>} : memref<80x128xf32, #tpu.memory_space<vmem>>, vector<1x16xf32>,
      %broadcast_in_dim3A_90 = arith.constant 0.000000e+00 : f32
      %broadcast_in_dim3A_91 = vector.broadcast %broadcast_in_dim3A_90 : f32 to vector<16xf32>
      %swap3A_92 = arith.index_cast %scan3A_41 : i32 to index
      %swap3A_93 = arith.constant 112 : index
      %swap3A_94 = tpu.vector_load %arg12[%swap3A_92, %swap3A_93] {strides = array<i32>} : memref<80x128xf32, #tpu.memory_space<vmem>>, vector<1x16xf32>,
      %swap3A_95 = vector.shape_cast %swap3A_94 : vector<1x16xf32> to vector<16xf32>
      %swap3A_96 = vector.shape_cast %broadcast_in_dim3A_91 : vector<16xf32> to vector<1x16xf32>
      tpu.vector_store %arg12[%swap3A_92, %swap3A_93], %swap3A_96 {strides = array<i32>} : memref<80x128xf32, #tpu.memory_space<vmem>>, vector<1x16xf32>,
      %broadcast_in_dim3A_97 = arith.constant 0.000000e+00 : f32
      %broadcast_in_dim3A_98 = vector.broadcast %broadcast_in_dim3A_97 : f32 to vector<16xf32>
      %swap3A_99 = arith.index_cast %scan3A_41 : i32 to index
      %swap3A_100 = arith.constant 0 : index
      %swap3A_101 = tpu.vector_load %arg15[%swap3A_99, %swap3A_100] {strides = array<i32>} : memref<80x16xf32, #tpu.memory_space<vmem>>, vector<1x16xf32>,
      %swap3A_102 = vector.shape_cast %swap3A_101 : vector<1x16xf32> to vector<16xf32>
      %swap3A_103 = vector.shape_cast %broadcast_in_dim3A_98 : vector<16xf32> to vector<1x16xf32>
      tpu.vector_store %arg15[%swap3A_99, %swap3A_100], %swap3A_103 {strides = array<i32>} : memref<80x16xf32, #tpu.memory_space<vmem>>, vector<1x16xf32>,
      %scan3A_104 = arith.constant 0 : i32
      scf.yield %scan3A_104 : i32
    }
    %scan3A_6 = arith.constant 80 : i32
    %add3A = arith.constant 0 : i32
    %add3A_7 = arith.addi %mul3A_0, %add3A : i32
    "tpu.region"() ({
      %run_scoped3A = tpu.sem_alloc : memref<!tpu.dma_semaphore, #tpu.memory_space<semaphore_mem>>
      %dma_start3A = arith.constant 0 : i32
      %dma_start3A_41 = tpu.memref_slice %arg8[%add3A_7, %dma_start3A] : memref<10240x128xf32, #tpu.memory_space<vmem_shared>> -> memref<80x128xf32, #tpu.memory_space<vmem_shared>>
      %dma_start3A_42 = arith.constant 0 : i32
      %dma_start3A_43 = tpu.memref_slice %arg8[%add3A_7, %dma_start3A_42] : memref<10240x128xf32, #tpu.memory_space<vmem_shared>> -> memref<80x128xf32, #tpu.memory_space<vmem_shared>>
      tpu.enqueue_dma source(%arg12 : memref<80x128xf32, #tpu.memory_space<vmem>>) target(%dma_start3A_43 : memref<80x128xf32, #tpu.memory_space<vmem_shared>>) target_semaphore(%run_scoped3A : memref<!tpu.dma_semaphore, #tpu.memory_space<semaphore_mem>>)
      %dma_wait3A = arith.constant 0 : i32
      %dma_wait3A_44 = tpu.memref_slice %arg8[%add3A_7, %dma_wait3A] : memref<10240x128xf32, #tpu.memory_space<vmem_shared>> -> memref<80x128xf32, #tpu.memory_space<vmem_shared>>
      %dma_wait3A_45 = arith.constant 0 : i32
      %dma_wait3A_46 = tpu.memref_slice %arg8[%add3A_7, %dma_wait3A_45] : memref<10240x128xf32, #tpu.memory_space<vmem_shared>> -> memref<80x128xf32, #tpu.memory_space<vmem_shared>>
      tpu.wait_dma2 semaphore(%run_scoped3A : memref<!tpu.dma_semaphore, #tpu.memory_space<semaphore_mem>>) src(%arg12 : memref<80x128xf32, #tpu.memory_space<vmem>>) dst(%dma_wait3A_46 : memref<80x128xf32, #tpu.memory_space<vmem_shared>>)
      tpu.yield
    }) : () -> ()
    %add3A_8 = arith.constant 80 : i32
    %add3A_9 = arith.addi %mul3A_0, %add3A_8 : i32
    "tpu.region"() ({
      %run_scoped3A = tpu.sem_alloc : memref<!tpu.dma_semaphore, #tpu.memory_space<semaphore_mem>>
      %dma_start3A = arith.constant 0 : i32
      %dma_start3A_41 = tpu.memref_slice %arg8[%add3A_9, %dma_start3A] : memref<10240x128xf32, #tpu.memory_space<vmem_shared>> -> memref<80x128xf32, #tpu.memory_space<vmem_shared>>
      %dma_start3A_42 = arith.constant 0 : i32
      %dma_start3A_43 = tpu.memref_slice %arg8[%add3A_9, %dma_start3A_42] : memref<10240x128xf32, #tpu.memory_space<vmem_shared>> -> memref<80x128xf32, #tpu.memory_space<vmem_shared>>
      tpu.enqueue_dma source(%arg12 : memref<80x128xf32, #tpu.memory_space<vmem>>) target(%dma_start3A_43 : memref<80x128xf32, #tpu.memory_space<vmem_shared>>) target_semaphore(%run_scoped3A : memref<!tpu.dma_semaphore, #tpu.memory_space<semaphore_mem>>)
      %dma_wait3A = arith.constant 0 : i32
      %dma_wait3A_44 = tpu.memref_slice %arg8[%add3A_9, %dma_wait3A] : memref<10240x128xf32, #tpu.memory_space<vmem_shared>> -> memref<80x128xf32, #tpu.memory_space<vmem_shared>>
      %dma_wait3A_45 = arith.constant 0 : i32
      %dma_wait3A_46 = tpu.memref_slice %arg8[%add3A_9, %dma_wait3A_45] : memref<10240x128xf32, #tpu.memory_space<vmem_shared>> -> memref<80x128xf32, #tpu.memory_space<vmem_shared>>
      tpu.wait_dma2 semaphore(%run_scoped3A : memref<!tpu.dma_semaphore, #tpu.memory_space<semaphore_mem>>) src(%arg12 : memref<80x128xf32, #tpu.memory_space<vmem>>) dst(%dma_wait3A_46 : memref<80x128xf32, #tpu.memory_space<vmem_shared>>)
      tpu.yield
    }) : () -> ()
    %add3A_10 = arith.constant 160 : i32
    %add3A_11 = arith.addi %mul3A_0, %add3A_10 : i32
    "tpu.region"() ({
      %run_scoped3A = tpu.sem_alloc : memref<!tpu.dma_semaphore, #tpu.memory_space<semaphore_mem>>
      %dma_start3A = arith.constant 0 : i32
      %dma_start3A_41 = tpu.memref_slice %arg8[%add3A_11, %dma_start3A] : memref<10240x128xf32, #tpu.memory_space<vmem_shared>> -> memref<80x128xf32, #tpu.memory_space<vmem_shared>>
      %dma_start3A_42 = arith.constant 0 : i32
      %dma_start3A_43 = tpu.memref_slice %arg8[%add3A_11, %dma_start3A_42] : memref<10240x128xf32, #tpu.memory_space<vmem_shared>> -> memref<80x128xf32, #tpu.memory_space<vmem_shared>>
      tpu.enqueue_dma source(%arg12 : memref<80x128xf32, #tpu.memory_space<vmem>>) target(%dma_start3A_43 : memref<80x128xf32, #tpu.memory_space<vmem_shared>>) target_semaphore(%run_scoped3A : memref<!tpu.dma_semaphore, #tpu.memory_space<semaphore_mem>>)
      %dma_wait3A = arith.constant 0 : i32
      %dma_wait3A_44 = tpu.memref_slice %arg8[%add3A_11, %dma_wait3A] : memref<10240x128xf32, #tpu.memory_space<vmem_shared>> -> memref<80x128xf32, #tpu.memory_space<vmem_shared>>
      %dma_wait3A_45 = arith.constant 0 : i32
      %dma_wait3A_46 = tpu.memref_slice %arg8[%add3A_11, %dma_wait3A_45] : memref<10240x128xf32, #tpu.memory_space<vmem_shared>> -> memref<80x128xf32, #tpu.memory_space<vmem_shared>>
      tpu.wait_dma2 semaphore(%run_scoped3A : memref<!tpu.dma_semaphore, #tpu.memory_space<semaphore_mem>>) src(%arg12 : memref<80x128xf32, #tpu.memory_space<vmem>>) dst(%dma_wait3A_46 : memref<80x128xf32, #tpu.memory_space<vmem_shared>>)
      tpu.yield
    }) : () -> ()
    %add3A_12 = arith.constant 240 : i32
    %add3A_13 = arith.addi %mul3A_0, %add3A_12 : i32
    "tpu.region"() ({
      %run_scoped3A = tpu.sem_alloc : memref<!tpu.dma_semaphore, #tpu.memory_space<semaphore_mem>>
      %dma_start3A = arith.constant 0 : i32
      %dma_start3A_41 = tpu.memref_slice %arg8[%add3A_13, %dma_start3A] : memref<10240x128xf32, #tpu.memory_space<vmem_shared>> -> memref<80x128xf32, #tpu.memory_space<vmem_shared>>
      %dma_start3A_42 = arith.constant 0 : i32
      %dma_start3A_43 = tpu.memref_slice %arg8[%add3A_13, %dma_start3A_42] : memref<10240x128xf32, #tpu.memory_space<vmem_shared>> -> memref<80x128xf32, #tpu.memory_space<vmem_shared>>
      tpu.enqueue_dma source(%arg12 : memref<80x128xf32, #tpu.memory_space<vmem>>) target(%dma_start3A_43 : memref<80x128xf32, #tpu.memory_space<vmem_shared>>) target_semaphore(%run_scoped3A : memref<!tpu.dma_semaphore, #tpu.memory_space<semaphore_mem>>)
      %dma_wait3A = arith.constant 0 : i32
      %dma_wait3A_44 = tpu.memref_slice %arg8[%add3A_13, %dma_wait3A] : memref<10240x128xf32, #tpu.memory_space<vmem_shared>> -> memref<80x128xf32, #tpu.memory_space<vmem_shared>>
      %dma_wait3A_45 = arith.constant 0 : i32
      %dma_wait3A_46 = tpu.memref_slice %arg8[%add3A_13, %dma_wait3A_45] : memref<10240x128xf32, #tpu.memory_space<vmem_shared>> -> memref<80x128xf32, #tpu.memory_space<vmem_shared>>
      tpu.wait_dma2 semaphore(%run_scoped3A : memref<!tpu.dma_semaphore, #tpu.memory_space<semaphore_mem>>) src(%arg12 : memref<80x128xf32, #tpu.memory_space<vmem>>) dst(%dma_wait3A_46 : memref<80x128xf32, #tpu.memory_space<vmem_shared>>)
      tpu.yield
    }) : () -> ()
    %add3A_14 = arith.constant 320 : i32
    %add3A_15 = arith.addi %mul3A_0, %add3A_14 : i32
    "tpu.region"() ({
      %run_scoped3A = tpu.sem_alloc : memref<!tpu.dma_semaphore, #tpu.memory_space<semaphore_mem>>
      %dma_start3A = arith.constant 0 : i32
      %dma_start3A_41 = tpu.memref_slice %arg8[%add3A_15, %dma_start3A] : memref<10240x128xf32, #tpu.memory_space<vmem_shared>> -> memref<80x128xf32, #tpu.memory_space<vmem_shared>>
      %dma_start3A_42 = arith.constant 0 : i32
      %dma_start3A_43 = tpu.memref_slice %arg8[%add3A_15, %dma_start3A_42] : memref<10240x128xf32, #tpu.memory_space<vmem_shared>> -> memref<80x128xf32, #tpu.memory_space<vmem_shared>>
      tpu.enqueue_dma source(%arg12 : memref<80x128xf32, #tpu.memory_space<vmem>>) target(%dma_start3A_43 : memref<80x128xf32, #tpu.memory_space<vmem_shared>>) target_semaphore(%run_scoped3A : memref<!tpu.dma_semaphore, #tpu.memory_space<semaphore_mem>>)
      %dma_wait3A = arith.constant 0 : i32
      %dma_wait3A_44 = tpu.memref_slice %arg8[%add3A_15, %dma_wait3A] : memref<10240x128xf32, #tpu.memory_space<vmem_shared>> -> memref<80x128xf32, #tpu.memory_space<vmem_shared>>
      %dma_wait3A_45 = arith.constant 0 : i32
      %dma_wait3A_46 = tpu.memref_slice %arg8[%add3A_15, %dma_wait3A_45] : memref<10240x128xf32, #tpu.memory_space<vmem_shared>> -> memref<80x128xf32, #tpu.memory_space<vmem_shared>>
      tpu.wait_dma2 semaphore(%run_scoped3A : memref<!tpu.dma_semaphore, #tpu.memory_space<semaphore_mem>>) src(%arg12 : memref<80x128xf32, #tpu.memory_space<vmem>>) dst(%dma_wait3A_46 : memref<80x128xf32, #tpu.memory_space<vmem_shared>>)
      tpu.yield
    }) : () -> ()
    %add3A_16 = arith.constant 400 : i32
    %add3A_17 = arith.addi %mul3A_0, %add3A_16 : i32
    "tpu.region"() ({
      %run_scoped3A = tpu.sem_alloc : memref<!tpu.dma_semaphore, #tpu.memory_space<semaphore_mem>>
      %dma_start3A = arith.constant 0 : i32
      %dma_start3A_41 = tpu.memref_slice %arg8[%add3A_17, %dma_start3A] : memref<10240x128xf32, #tpu.memory_space<vmem_shared>> -> memref<80x128xf32, #tpu.memory_space<vmem_shared>>
      %dma_start3A_42 = arith.constant 0 : i32
      %dma_start3A_43 = tpu.memref_slice %arg8[%add3A_17, %dma_start3A_42] : memref<10240x128xf32, #tpu.memory_space<vmem_shared>> -> memref<80x128xf32, #tpu.memory_space<vmem_shared>>
      tpu.enqueue_dma source(%arg12 : memref<80x128xf32, #tpu.memory_space<vmem>>) target(%dma_start3A_43 : memref<80x128xf32, #tpu.memory_space<vmem_shared>>) target_semaphore(%run_scoped3A : memref<!tpu.dma_semaphore, #tpu.memory_space<semaphore_mem>>)
      %dma_wait3A = arith.constant 0 : i32
      %dma_wait3A_44 = tpu.memref_slice %arg8[%add3A_17, %dma_wait3A] : memref<10240x128xf32, #tpu.memory_space<vmem_shared>> -> memref<80x128xf32, #tpu.memory_space<vmem_shared>>
      %dma_wait3A_45 = arith.constant 0 : i32
      %dma_wait3A_46 = tpu.memref_slice %arg8[%add3A_17, %dma_wait3A_45] : memref<10240x128xf32, #tpu.memory_space<vmem_shared>> -> memref<80x128xf32, #tpu.memory_space<vmem_shared>>
      tpu.wait_dma2 semaphore(%run_scoped3A : memref<!tpu.dma_semaphore, #tpu.memory_space<semaphore_mem>>) src(%arg12 : memref<80x128xf32, #tpu.memory_space<vmem>>) dst(%dma_wait3A_46 : memref<80x128xf32, #tpu.memory_space<vmem_shared>>)
      tpu.yield
    }) : () -> ()
    %add3A_18 = arith.constant 480 : i32
    %add3A_19 = arith.addi %mul3A_0, %add3A_18 : i32
    "tpu.region"() ({
      %run_scoped3A = tpu.sem_alloc : memref<!tpu.dma_semaphore, #tpu.memory_space<semaphore_mem>>
      %dma_start3A = arith.constant 0 : i32
      %dma_start3A_41 = tpu.memref_slice %arg8[%add3A_19, %dma_start3A] : memref<10240x128xf32, #tpu.memory_space<vmem_shared>> -> memref<80x128xf32, #tpu.memory_space<vmem_shared>>
      %dma_start3A_42 = arith.constant 0 : i32
      %dma_start3A_43 = tpu.memref_slice %arg8[%add3A_19, %dma_start3A_42] : memref<10240x128xf32, #tpu.memory_space<vmem_shared>> -> memref<80x128xf32, #tpu.memory_space<vmem_shared>>
      tpu.enqueue_dma source(%arg12 : memref<80x128xf32, #tpu.memory_space<vmem>>) target(%dma_start3A_43 : memref<80x128xf32, #tpu.memory_space<vmem_shared>>) target_semaphore(%run_scoped3A : memref<!tpu.dma_semaphore, #tpu.memory_space<semaphore_mem>>)
      %dma_wait3A = arith.constant 0 : i32
      %dma_wait3A_44 = tpu.memref_slice %arg8[%add3A_19, %dma_wait3A] : memref<10240x128xf32, #tpu.memory_space<vmem_shared>> -> memref<80x128xf32, #tpu.memory_space<vmem_shared>>
      %dma_wait3A_45 = arith.constant 0 : i32
      %dma_wait3A_46 = tpu.memref_slice %arg8[%add3A_19, %dma_wait3A_45] : memref<10240x128xf32, #tpu.memory_space<vmem_shared>> -> memref<80x128xf32, #tpu.memory_space<vmem_shared>>
      tpu.wait_dma2 semaphore(%run_scoped3A : memref<!tpu.dma_semaphore, #tpu.memory_space<semaphore_mem>>) src(%arg12 : memref<80x128xf32, #tpu.memory_space<vmem>>) dst(%dma_wait3A_46 : memref<80x128xf32, #tpu.memory_space<vmem_shared>>)
      tpu.yield
    }) : () -> ()
    %add3A_20 = arith.constant 560 : i32
    %add3A_21 = arith.addi %mul3A_0, %add3A_20 : i32
    "tpu.region"() ({
      %run_scoped3A = tpu.sem_alloc : memref<!tpu.dma_semaphore, #tpu.memory_space<semaphore_mem>>
      %dma_start3A = arith.constant 0 : i32
      %dma_start3A_41 = tpu.memref_slice %arg8[%add3A_21, %dma_start3A] : memref<10240x128xf32, #tpu.memory_space<vmem_shared>> -> memref<80x128xf32, #tpu.memory_space<vmem_shared>>
      %dma_start3A_42 = arith.constant 0 : i32
      %dma_start3A_43 = tpu.memref_slice %arg8[%add3A_21, %dma_start3A_42] : memref<10240x128xf32, #tpu.memory_space<vmem_shared>> -> memref<80x128xf32, #tpu.memory_space<vmem_shared>>
      tpu.enqueue_dma source(%arg12 : memref<80x128xf32, #tpu.memory_space<vmem>>) target(%dma_start3A_43 : memref<80x128xf32, #tpu.memory_space<vmem_shared>>) target_semaphore(%run_scoped3A : memref<!tpu.dma_semaphore, #tpu.memory_space<semaphore_mem>>)
      %dma_wait3A = arith.constant 0 : i32
      %dma_wait3A_44 = tpu.memref_slice %arg8[%add3A_21, %dma_wait3A] : memref<10240x128xf32, #tpu.memory_space<vmem_shared>> -> memref<80x128xf32, #tpu.memory_space<vmem_shared>>
      %dma_wait3A_45 = arith.constant 0 : i32
      %dma_wait3A_46 = tpu.memref_slice %arg8[%add3A_21, %dma_wait3A_45] : memref<10240x128xf32, #tpu.memory_space<vmem_shared>> -> memref<80x128xf32, #tpu.memory_space<vmem_shared>>
      tpu.wait_dma2 semaphore(%run_scoped3A : memref<!tpu.dma_semaphore, #tpu.memory_space<semaphore_mem>>) src(%arg12 : memref<80x128xf32, #tpu.memory_space<vmem>>) dst(%dma_wait3A_46 : memref<80x128xf32, #tpu.memory_space<vmem_shared>>)
      tpu.yield
    }) : () -> ()
    %eq3A = arith.constant 0 : i32
    %eq3A_22 = arith.cmpi eq, %arg0, %eq3A : i32
    %convert_element_type3A = arith.extui %eq3A_22 : i1 to i32
    %cond3A = arith.constant 0 : i32
    %cond3A_23 = arith.cmpi ne, %convert_element_type3A, %cond3A : i32
    scf.if %cond3A_23 {
      %add3A_41 = arith.constant 0 : i32
      %add3A_42 = arith.addi %mul3A_0, %add3A_41 : i32
      "tpu.region"() ({
        %run_scoped3A = tpu.sem_alloc : memref<!tpu.dma_semaphore, #tpu.memory_space<semaphore_mem>>
        %dma_start3A = arith.constant 0 : i32
        %dma_start3A_57 = tpu.memref_slice %arg9[%add3A_42, %dma_start3A] : memref<10240x16xf32, #tpu.memory_space<vmem_shared>> -> memref<80x16xf32, #tpu.memory_space<vmem_shared>>
        %dma_start3A_58 = arith.constant 0 : i32
        %dma_start3A_59 = tpu.memref_slice %arg9[%add3A_42, %dma_start3A_58] : memref<10240x16xf32, #tpu.memory_space<vmem_shared>> -> memref<80x16xf32, #tpu.memory_space<vmem_shared>>
        tpu.enqueue_dma source(%arg15 : memref<80x16xf32, #tpu.memory_space<vmem>>) target(%dma_start3A_59 : memref<80x16xf32, #tpu.memory_space<vmem_shared>>) target_semaphore(%run_scoped3A : memref<!tpu.dma_semaphore, #tpu.memory_space<semaphore_mem>>)
        %dma_wait3A = arith.constant 0 : i32
        %dma_wait3A_60 = tpu.memref_slice %arg9[%add3A_42, %dma_wait3A] : memref<10240x16xf32, #tpu.memory_space<vmem_shared>> -> memref<80x16xf32, #tpu.memory_space<vmem_shared>>
        %dma_wait3A_61 = arith.constant 0 : i32
        %dma_wait3A_62 = tpu.memref_slice %arg9[%add3A_42, %dma_wait3A_61] : memref<10240x16xf32, #tpu.memory_space<vmem_shared>> -> memref<80x16xf32, #tpu.memory_space<vmem_shared>>
        tpu.wait_dma2 semaphore(%run_scoped3A : memref<!tpu.dma_semaphore, #tpu.memory_space<semaphore_mem>>) src(%arg15 : memref<80x16xf32, #tpu.memory_space<vmem>>) dst(%dma_wait3A_62 : memref<80x16xf32, #tpu.memory_space<vmem_shared>>)
        tpu.yield
      }) : () -> ()
      %add3A_43 = arith.constant 80 : i32
      %add3A_44 = arith.addi %mul3A_0, %add3A_43 : i32
      "tpu.region"() ({
        %run_scoped3A = tpu.sem_alloc : memref<!tpu.dma_semaphore, #tpu.memory_space<semaphore_mem>>
        %dma_start3A = arith.constant 0 : i32
        %dma_start3A_57 = tpu.memref_slice %arg9[%add3A_44, %dma_start3A] : memref<10240x16xf32, #tpu.memory_space<vmem_shared>> -> memref<80x16xf32, #tpu.memory_space<vmem_shared>>
        %dma_start3A_58 = arith.constant 0 : i32
        %dma_start3A_59 = tpu.memref_slice %arg9[%add3A_44, %dma_start3A_58] : memref<10240x16xf32, #tpu.memory_space<vmem_shared>> -> memref<80x16xf32, #tpu.memory_space<vmem_shared>>
        tpu.enqueue_dma source(%arg15 : memref<80x16xf32, #tpu.memory_space<vmem>>) target(%dma_start3A_59 : memref<80x16xf32, #tpu.memory_space<vmem_shared>>) target_semaphore(%run_scoped3A : memref<!tpu.dma_semaphore, #tpu.memory_space<semaphore_mem>>)
        %dma_wait3A = arith.constant 0 : i32
        %dma_wait3A_60 = tpu.memref_slice %arg9[%add3A_44, %dma_wait3A] : memref<10240x16xf32, #tpu.memory_space<vmem_shared>> -> memref<80x16xf32, #tpu.memory_space<vmem_shared>>
        %dma_wait3A_61 = arith.constant 0 : i32
        %dma_wait3A_62 = tpu.memref_slice %arg9[%add3A_44, %dma_wait3A_61] : memref<10240x16xf32, #tpu.memory_space<vmem_shared>> -> memref<80x16xf32, #tpu.memory_space<vmem_shared>>
        tpu.wait_dma2 semaphore(%run_scoped3A : memref<!tpu.dma_semaphore, #tpu.memory_space<semaphore_mem>>) src(%arg15 : memref<80x16xf32, #tpu.memory_space<vmem>>) dst(%dma_wait3A_62 : memref<80x16xf32, #tpu.memory_space<vmem_shared>>)
        tpu.yield
      }) : () -> ()
      %add3A_45 = arith.constant 160 : i32
      %add3A_46 = arith.addi %mul3A_0, %add3A_45 : i32
      "tpu.region"() ({
        %run_scoped3A = tpu.sem_alloc : memref<!tpu.dma_semaphore, #tpu.memory_space<semaphore_mem>>
        %dma_start3A = arith.constant 0 : i32
        %dma_start3A_57 = tpu.memref_slice %arg9[%add3A_46, %dma_start3A] : memref<10240x16xf32, #tpu.memory_space<vmem_shared>> -> memref<80x16xf32, #tpu.memory_space<vmem_shared>>
        %dma_start3A_58 = arith.constant 0 : i32
        %dma_start3A_59 = tpu.memref_slice %arg9[%add3A_46, %dma_start3A_58] : memref<10240x16xf32, #tpu.memory_space<vmem_shared>> -> memref<80x16xf32, #tpu.memory_space<vmem_shared>>
        tpu.enqueue_dma source(%arg15 : memref<80x16xf32, #tpu.memory_space<vmem>>) target(%dma_start3A_59 : memref<80x16xf32, #tpu.memory_space<vmem_shared>>) target_semaphore(%run_scoped3A : memref<!tpu.dma_semaphore, #tpu.memory_space<semaphore_mem>>)
        %dma_wait3A = arith.constant 0 : i32
        %dma_wait3A_60 = tpu.memref_slice %arg9[%add3A_46, %dma_wait3A] : memref<10240x16xf32, #tpu.memory_space<vmem_shared>> -> memref<80x16xf32, #tpu.memory_space<vmem_shared>>
        %dma_wait3A_61 = arith.constant 0 : i32
        %dma_wait3A_62 = tpu.memref_slice %arg9[%add3A_46, %dma_wait3A_61] : memref<10240x16xf32, #tpu.memory_space<vmem_shared>> -> memref<80x16xf32, #tpu.memory_space<vmem_shared>>
        tpu.wait_dma2 semaphore(%run_scoped3A : memref<!tpu.dma_semaphore, #tpu.memory_space<semaphore_mem>>) src(%arg15 : memref<80x16xf32, #tpu.memory_space<vmem>>) dst(%dma_wait3A_62 : memref<80x16xf32, #tpu.memory_space<vmem_shared>>)
        tpu.yield
      }) : () -> ()
      %add3A_47 = arith.constant 240 : i32
      %add3A_48 = arith.addi %mul3A_0, %add3A_47 : i32
      "tpu.region"() ({
        %run_scoped3A = tpu.sem_alloc : memref<!tpu.dma_semaphore, #tpu.memory_space<semaphore_mem>>
        %dma_start3A = arith.constant 0 : i32
        %dma_start3A_57 = tpu.memref_slice %arg9[%add3A_48, %dma_start3A] : memref<10240x16xf32, #tpu.memory_space<vmem_shared>> -> memref<80x16xf32, #tpu.memory_space<vmem_shared>>
        %dma_start3A_58 = arith.constant 0 : i32
        %dma_start3A_59 = tpu.memref_slice %arg9[%add3A_48, %dma_start3A_58] : memref<10240x16xf32, #tpu.memory_space<vmem_shared>> -> memref<80x16xf32, #tpu.memory_space<vmem_shared>>
        tpu.enqueue_dma source(%arg15 : memref<80x16xf32, #tpu.memory_space<vmem>>) target(%dma_start3A_59 : memref<80x16xf32, #tpu.memory_space<vmem_shared>>) target_semaphore(%run_scoped3A : memref<!tpu.dma_semaphore, #tpu.memory_space<semaphore_mem>>)
        %dma_wait3A = arith.constant 0 : i32
        %dma_wait3A_60 = tpu.memref_slice %arg9[%add3A_48, %dma_wait3A] : memref<10240x16xf32, #tpu.memory_space<vmem_shared>> -> memref<80x16xf32, #tpu.memory_space<vmem_shared>>
        %dma_wait3A_61 = arith.constant 0 : i32
        %dma_wait3A_62 = tpu.memref_slice %arg9[%add3A_48, %dma_wait3A_61] : memref<10240x16xf32, #tpu.memory_space<vmem_shared>> -> memref<80x16xf32, #tpu.memory_space<vmem_shared>>
        tpu.wait_dma2 semaphore(%run_scoped3A : memref<!tpu.dma_semaphore, #tpu.memory_space<semaphore_mem>>) src(%arg15 : memref<80x16xf32, #tpu.memory_space<vmem>>) dst(%dma_wait3A_62 : memref<80x16xf32, #tpu.memory_space<vmem_shared>>)
        tpu.yield
      }) : () -> ()
      %add3A_49 = arith.constant 320 : i32
      %add3A_50 = arith.addi %mul3A_0, %add3A_49 : i32
      "tpu.region"() ({
        %run_scoped3A = tpu.sem_alloc : memref<!tpu.dma_semaphore, #tpu.memory_space<semaphore_mem>>
        %dma_start3A = arith.constant 0 : i32
        %dma_start3A_57 = tpu.memref_slice %arg9[%add3A_50, %dma_start3A] : memref<10240x16xf32, #tpu.memory_space<vmem_shared>> -> memref<80x16xf32, #tpu.memory_space<vmem_shared>>
        %dma_start3A_58 = arith.constant 0 : i32
        %dma_start3A_59 = tpu.memref_slice %arg9[%add3A_50, %dma_start3A_58] : memref<10240x16xf32, #tpu.memory_space<vmem_shared>> -> memref<80x16xf32, #tpu.memory_space<vmem_shared>>
        tpu.enqueue_dma source(%arg15 : memref<80x16xf32, #tpu.memory_space<vmem>>) target(%dma_start3A_59 : memref<80x16xf32, #tpu.memory_space<vmem_shared>>) target_semaphore(%run_scoped3A : memref<!tpu.dma_semaphore, #tpu.memory_space<semaphore_mem>>)
        %dma_wait3A = arith.constant 0 : i32
        %dma_wait3A_60 = tpu.memref_slice %arg9[%add3A_50, %dma_wait3A] : memref<10240x16xf32, #tpu.memory_space<vmem_shared>> -> memref<80x16xf32, #tpu.memory_space<vmem_shared>>
        %dma_wait3A_61 = arith.constant 0 : i32
        %dma_wait3A_62 = tpu.memref_slice %arg9[%add3A_50, %dma_wait3A_61] : memref<10240x16xf32, #tpu.memory_space<vmem_shared>> -> memref<80x16xf32, #tpu.memory_space<vmem_shared>>
        tpu.wait_dma2 semaphore(%run_scoped3A : memref<!tpu.dma_semaphore, #tpu.memory_space<semaphore_mem>>) src(%arg15 : memref<80x16xf32, #tpu.memory_space<vmem>>) dst(%dma_wait3A_62 : memref<80x16xf32, #tpu.memory_space<vmem_shared>>)
        tpu.yield
      }) : () -> ()
      %add3A_51 = arith.constant 400 : i32
      %add3A_52 = arith.addi %mul3A_0, %add3A_51 : i32
      "tpu.region"() ({
        %run_scoped3A = tpu.sem_alloc : memref<!tpu.dma_semaphore, #tpu.memory_space<semaphore_mem>>
        %dma_start3A = arith.constant 0 : i32
        %dma_start3A_57 = tpu.memref_slice %arg9[%add3A_52, %dma_start3A] : memref<10240x16xf32, #tpu.memory_space<vmem_shared>> -> memref<80x16xf32, #tpu.memory_space<vmem_shared>>
        %dma_start3A_58 = arith.constant 0 : i32
        %dma_start3A_59 = tpu.memref_slice %arg9[%add3A_52, %dma_start3A_58] : memref<10240x16xf32, #tpu.memory_space<vmem_shared>> -> memref<80x16xf32, #tpu.memory_space<vmem_shared>>
        tpu.enqueue_dma source(%arg15 : memref<80x16xf32, #tpu.memory_space<vmem>>) target(%dma_start3A_59 : memref<80x16xf32, #tpu.memory_space<vmem_shared>>) target_semaphore(%run_scoped3A : memref<!tpu.dma_semaphore, #tpu.memory_space<semaphore_mem>>)
        %dma_wait3A = arith.constant 0 : i32
        %dma_wait3A_60 = tpu.memref_slice %arg9[%add3A_52, %dma_wait3A] : memref<10240x16xf32, #tpu.memory_space<vmem_shared>> -> memref<80x16xf32, #tpu.memory_space<vmem_shared>>
        %dma_wait3A_61 = arith.constant 0 : i32
        %dma_wait3A_62 = tpu.memref_slice %arg9[%add3A_52, %dma_wait3A_61] : memref<10240x16xf32, #tpu.memory_space<vmem_shared>> -> memref<80x16xf32, #tpu.memory_space<vmem_shared>>
        tpu.wait_dma2 semaphore(%run_scoped3A : memref<!tpu.dma_semaphore, #tpu.memory_space<semaphore_mem>>) src(%arg15 : memref<80x16xf32, #tpu.memory_space<vmem>>) dst(%dma_wait3A_62 : memref<80x16xf32, #tpu.memory_space<vmem_shared>>)
        tpu.yield
      }) : () -> ()
      %add3A_53 = arith.constant 480 : i32
      %add3A_54 = arith.addi %mul3A_0, %add3A_53 : i32
      "tpu.region"() ({
        %run_scoped3A = tpu.sem_alloc : memref<!tpu.dma_semaphore, #tpu.memory_space<semaphore_mem>>
        %dma_start3A = arith.constant 0 : i32
        %dma_start3A_57 = tpu.memref_slice %arg9[%add3A_54, %dma_start3A] : memref<10240x16xf32, #tpu.memory_space<vmem_shared>> -> memref<80x16xf32, #tpu.memory_space<vmem_shared>>
        %dma_start3A_58 = arith.constant 0 : i32
        %dma_start3A_59 = tpu.memref_slice %arg9[%add3A_54, %dma_start3A_58] : memref<10240x16xf32, #tpu.memory_space<vmem_shared>> -> memref<80x16xf32, #tpu.memory_space<vmem_shared>>
        tpu.enqueue_dma source(%arg15 : memref<80x16xf32, #tpu.memory_space<vmem>>) target(%dma_start3A_59 : memref<80x16xf32, #tpu.memory_space<vmem_shared>>) target_semaphore(%run_scoped3A : memref<!tpu.dma_semaphore, #tpu.memory_space<semaphore_mem>>)
        %dma_wait3A = arith.constant 0 : i32
        %dma_wait3A_60 = tpu.memref_slice %arg9[%add3A_54, %dma_wait3A] : memref<10240x16xf32, #tpu.memory_space<vmem_shared>> -> memref<80x16xf32, #tpu.memory_space<vmem_shared>>
        %dma_wait3A_61 = arith.constant 0 : i32
        %dma_wait3A_62 = tpu.memref_slice %arg9[%add3A_54, %dma_wait3A_61] : memref<10240x16xf32, #tpu.memory_space<vmem_shared>> -> memref<80x16xf32, #tpu.memory_space<vmem_shared>>
        tpu.wait_dma2 semaphore(%run_scoped3A : memref<!tpu.dma_semaphore, #tpu.memory_space<semaphore_mem>>) src(%arg15 : memref<80x16xf32, #tpu.memory_space<vmem>>) dst(%dma_wait3A_62 : memref<80x16xf32, #tpu.memory_space<vmem_shared>>)
        tpu.yield
      }) : () -> ()
      %add3A_55 = arith.constant 560 : i32
      %add3A_56 = arith.addi %mul3A_0, %add3A_55 : i32
      "tpu.region"() ({
        %run_scoped3A = tpu.sem_alloc : memref<!tpu.dma_semaphore, #tpu.memory_space<semaphore_mem>>
        %dma_start3A = arith.constant 0 : i32
        %dma_start3A_57 = tpu.memref_slice %arg9[%add3A_56, %dma_start3A] : memref<10240x16xf32, #tpu.memory_space<vmem_shared>> -> memref<80x16xf32, #tpu.memory_space<vmem_shared>>
        %dma_start3A_58 = arith.constant 0 : i32
        %dma_start3A_59 = tpu.memref_slice %arg9[%add3A_56, %dma_start3A_58] : memref<10240x16xf32, #tpu.memory_space<vmem_shared>> -> memref<80x16xf32, #tpu.memory_space<vmem_shared>>
        tpu.enqueue_dma source(%arg15 : memref<80x16xf32, #tpu.memory_space<vmem>>) target(%dma_start3A_59 : memref<80x16xf32, #tpu.memory_space<vmem_shared>>) target_semaphore(%run_scoped3A : memref<!tpu.dma_semaphore, #tpu.memory_space<semaphore_mem>>)
        %dma_wait3A = arith.constant 0 : i32
        %dma_wait3A_60 = tpu.memref_slice %arg9[%add3A_56, %dma_wait3A] : memref<10240x16xf32, #tpu.memory_space<vmem_shared>> -> memref<80x16xf32, #tpu.memory_space<vmem_shared>>
        %dma_wait3A_61 = arith.constant 0 : i32
        %dma_wait3A_62 = tpu.memref_slice %arg9[%add3A_56, %dma_wait3A_61] : memref<10240x16xf32, #tpu.memory_space<vmem_shared>> -> memref<80x16xf32, #tpu.memory_space<vmem_shared>>
        tpu.wait_dma2 semaphore(%run_scoped3A : memref<!tpu.dma_semaphore, #tpu.memory_space<semaphore_mem>>) src(%arg15 : memref<80x16xf32, #tpu.memory_space<vmem>>) dst(%dma_wait3A_62 : memref<80x16xf32, #tpu.memory_space<vmem_shared>>)
        tpu.yield
      }) : () -> ()
    } else {
    }
    %scan3A_24 = arith.constant 0 : i32
    %scan3A_25 = arith.constant 0 : i32
    %scan3A_26 = arith.constant 80 : i32
    %scan3A_27 = arith.addi %scan3A_25, %scan3A_26 : i32
    %scan3A_28 = arith.constant 1 : i32
    %scan3A_29 = scf.for %scan3A_41 = %scan3A_25 to %scan3A_27 step %scan3A_28 iter_args(%scan3A_42 = %scan3A_24) -> (i32)  : i32 {
      %broadcast_in_dim3A = arith.constant 1.000000e+00 : f32
      %broadcast_in_dim3A_43 = vector.broadcast %broadcast_in_dim3A : f32 to vector<16xf32>
      %swap3A = arith.index_cast %scan3A_41 : i32 to index
      %swap3A_44 = arith.constant 0 : index
      %swap3A_45 = tpu.vector_load %arg15[%swap3A, %swap3A_44] {strides = array<i32>} : memref<80x16xf32, #tpu.memory_space<vmem>>, vector<1x16xf32>,
      %swap3A_46 = vector.shape_cast %swap3A_45 : vector<1x16xf32> to vector<16xf32>
      %swap3A_47 = vector.shape_cast %broadcast_in_dim3A_43 : vector<16xf32> to vector<1x16xf32>
      tpu.vector_store %arg15[%swap3A, %swap3A_44], %swap3A_47 {strides = array<i32>} : memref<80x16xf32, #tpu.memory_space<vmem>>, vector<1x16xf32>,
      %scan3A_48 = arith.constant 0 : i32
      scf.yield %scan3A_48 : i32
    }
    %scan3A_30 = arith.constant 80 : i32
    %barrier3A = arith.constant 0 : index
    tpu.barrier barrier_id(%barrier3A)
    %eq3A_31 = arith.constant 0 : i32
    %eq3A_32 = arith.cmpi eq, %arg0, %eq3A_31 : i32
    %convert_element_type3A_33 = arith.extui %eq3A_32 : i1 to i32
    %cond3A_34 = arith.constant 0 : i32
    %cond3A_35 = arith.cmpi ne, %convert_element_type3A_33, %cond3A_34 : i32
    scf.if %cond3A_35 {
      %scan3A_41 = arith.constant 0 : i32
      %scan3A_42 = arith.constant 0 : i32
      %scan3A_43 = arith.constant 5 : i32
      %scan3A_44 = arith.addi %scan3A_42, %scan3A_43 : i32
      %scan3A_45 = arith.constant 1 : i32
      %scan3A_46 = scf.for %scan3A_49 = %scan3A_42 to %scan3A_44 step %scan3A_45 iter_args(%scan3A_50 = %scan3A_41) -> (i32)  : i32 {
        %eq3A_51 = arith.constant 0 : i32
        %eq3A_52 = arith.cmpi eq, %scan3A_49, %eq3A_51 : i32
        %convert_element_type3A_53 = arith.extui %eq3A_52 : i1 to i32
        %cond3A_54 = arith.constant 0 : i32
        %cond3A_55 = arith.cmpi ne, %convert_element_type3A_53, %cond3A_54 : i32
        scf.if %cond3A_55 {
          %mul3A_113 = arith.constant 25 : i32
          %mul3A_114 = arith.muli %scan3A_49, %mul3A_113 : i32
          %run_scoped3A_115 = arith.constant 0 : i32
          "tpu.region"() ({
            %run_scoped3A_119 = tpu.sem_alloc : memref<!tpu.dma_semaphore, #tpu.memory_space<semaphore_mem>>
            %dma_start3A_120 = arith.constant 0 : i32
            %dma_start3A_121 = tpu.memref_slice %arg4[%run_scoped3A_115, %arg1, %mul3A_114, %dma_start3A_120] : memref<2x16x125x80xi32, #tpu.memory_space<hbm>> -> memref<1x1x25x80xi32, #tpu.memory_space<hbm>>
            %dma_start3A_122 = tpu.memref_squeeze %dma_start3A_121 : memref<1x1x25x80xi32, #tpu.memory_space<hbm>> -> memref<25x80xi32, #tpu.memory_space<hbm>>
            %dma_start3A_123 = arith.constant 0 : i32
            %dma_start3A_124 = tpu.memref_slice %arg4[%run_scoped3A_115, %arg1, %mul3A_114, %dma_start3A_123] : memref<2x16x125x80xi32, #tpu.memory_space<hbm>> -> memref<1x1x25x80xi32, #tpu.memory_space<hbm>>
            %dma_start3A_125 = tpu.memref_squeeze %dma_start3A_124 : memref<1x1x25x80xi32, #tpu.memory_space<hbm>> -> memref<25x80xi32, #tpu.memory_space<hbm>>
            tpu.enqueue_dma source(%dma_start3A_125 : memref<25x80xi32, #tpu.memory_space<hbm>>) target(%arg10 : memref<25x80xi32, #tpu.memory_space<vmem>>) target_semaphore(%run_scoped3A_119 : memref<!tpu.dma_semaphore, #tpu.memory_space<semaphore_mem>>)
            %dma_wait3A_126 = arith.constant 0 : i32
            %dma_wait3A_127 = tpu.memref_slice %arg4[%run_scoped3A_115, %arg1, %mul3A_114, %dma_wait3A_126] : memref<2x16x125x80xi32, #tpu.memory_space<hbm>> -> memref<1x1x25x80xi32, #tpu.memory_space<hbm>>
            %dma_wait3A_128 = tpu.memref_squeeze %dma_wait3A_127 : memref<1x1x25x80xi32, #tpu.memory_space<hbm>> -> memref<25x80xi32, #tpu.memory_space<hbm>>
            %dma_wait3A_129 = arith.constant 0 : i32
            %dma_wait3A_130 = tpu.memref_slice %arg4[%run_scoped3A_115, %arg1, %mul3A_114, %dma_wait3A_129] : memref<2x16x125x80xi32, #tpu.memory_space<hbm>> -> memref<1x1x25x80xi32, #tpu.memory_space<hbm>>
            %dma_wait3A_131 = tpu.memref_squeeze %dma_wait3A_130 : memref<1x1x25x80xi32, #tpu.memory_space<hbm>> -> memref<25x80xi32, #tpu.memory_space<hbm>>
            tpu.wait_dma2 semaphore(%run_scoped3A_119 : memref<!tpu.dma_semaphore, #tpu.memory_space<semaphore_mem>>) src(%dma_wait3A_131 : memref<25x80xi32, #tpu.memory_space<hbm>>) dst(%arg10 : memref<25x80xi32, #tpu.memory_space<vmem>>)
            tpu.yield
          }) : () -> ()
          %mul3A_116 = arith.constant 25 : i32
          %mul3A_117 = arith.muli %scan3A_49, %mul3A_116 : i32
          %run_scoped3A_118 = arith.constant 1 : i32
          "tpu.region"() ({
            %run_scoped3A_119 = tpu.sem_alloc : memref<!tpu.dma_semaphore, #tpu.memory_space<semaphore_mem>>
            %dma_start3A_120 = arith.constant 0 : i32
            %dma_start3A_121 = tpu.memref_slice %arg4[%run_scoped3A_118, %arg1, %mul3A_117, %dma_start3A_120] : memref<2x16x125x80xi32, #tpu.memory_space<hbm>> -> memref<1x1x25x80xi32, #tpu.memory_space<hbm>>
            %dma_start3A_122 = tpu.memref_squeeze %dma_start3A_121 : memref<1x1x25x80xi32, #tpu.memory_space<hbm>> -> memref<25x80xi32, #tpu.memory_space<hbm>>
            %dma_start3A_123 = arith.constant 0 : i32
            %dma_start3A_124 = tpu.memref_slice %arg4[%run_scoped3A_118, %arg1, %mul3A_117, %dma_start3A_123] : memref<2x16x125x80xi32, #tpu.memory_space<hbm>> -> memref<1x1x25x80xi32, #tpu.memory_space<hbm>>
            %dma_start3A_125 = tpu.memref_squeeze %dma_start3A_124 : memref<1x1x25x80xi32, #tpu.memory_space<hbm>> -> memref<25x80xi32, #tpu.memory_space<hbm>>
            tpu.enqueue_dma source(%dma_start3A_125 : memref<25x80xi32, #tpu.memory_space<hbm>>) target(%arg11 : memref<25x80xi32, #tpu.memory_space<vmem>>) target_semaphore(%run_scoped3A_119 : memref<!tpu.dma_semaphore, #tpu.memory_space<semaphore_mem>>)
            %dma_wait3A_126 = arith.constant 0 : i32
            %dma_wait3A_127 = tpu.memref_slice %arg4[%run_scoped3A_118, %arg1, %mul3A_117, %dma_wait3A_126] : memref<2x16x125x80xi32, #tpu.memory_space<hbm>> -> memref<1x1x25x80xi32, #tpu.memory_space<hbm>>
            %dma_wait3A_128 = tpu.memref_squeeze %dma_wait3A_127 : memref<1x1x25x80xi32, #tpu.memory_space<hbm>> -> memref<25x80xi32, #tpu.memory_space<hbm>>
            %dma_wait3A_129 = arith.constant 0 : i32
            %dma_wait3A_130 = tpu.memref_slice %arg4[%run_scoped3A_118, %arg1, %mul3A_117, %dma_wait3A_129] : memref<2x16x125x80xi32, #tpu.memory_space<hbm>> -> memref<1x1x25x80xi32, #tpu.memory_space<hbm>>
            %dma_wait3A_131 = tpu.memref_squeeze %dma_wait3A_130 : memref<1x1x25x80xi32, #tpu.memory_space<hbm>> -> memref<25x80xi32, #tpu.memory_space<hbm>>
            tpu.wait_dma2 semaphore(%run_scoped3A_119 : memref<!tpu.dma_semaphore, #tpu.memory_space<semaphore_mem>>) src(%dma_wait3A_131 : memref<25x80xi32, #tpu.memory_space<hbm>>) dst(%arg11 : memref<25x80xi32, #tpu.memory_space<vmem>>)
            tpu.yield
          }) : () -> ()
        } else {
        }
        %gt3A = arith.constant 0 : i32
        %gt3A_56 = arith.cmpi sgt, %scan3A_49, %gt3A : i32
        %convert_element_type3A_57 = arith.extui %gt3A_56 : i1 to i32
        %cond3A_58 = arith.constant 0 : i32
        %cond3A_59 = arith.cmpi ne, %convert_element_type3A_57, %cond3A_58 : i32
        scf.if %cond3A_59 {
          %dma_wait3A_113 = arith.constant 0 : i32
          %dma_wait3A_114 = arith.constant 0 : i32
          %dma_wait3A_115 = arith.constant 0 : i32
          %dma_wait3A_116 = tpu.memref_slice %arg4[%dma_wait3A_113, %arg1, %dma_wait3A_114, %dma_wait3A_115] : memref<2x16x125x80xi32, #tpu.memory_space<hbm>> -> memref<1x1x25x80xi32, #tpu.memory_space<hbm>>
          %dma_wait3A_117 = tpu.memref_squeeze %dma_wait3A_116 : memref<1x1x25x80xi32, #tpu.memory_space<hbm>> -> memref<25x80xi32, #tpu.memory_space<hbm>>
          %dma_wait3A_118 = arith.constant 0 : i32
          %dma_wait3A_119 = arith.constant 0 : i32
          %dma_wait3A_120 = tpu.memref_slice %arg4[%dma_wait3A_113, %arg1, %dma_wait3A_118, %dma_wait3A_119] : memref<2x16x125x80xi32, #tpu.memory_space<hbm>> -> memref<1x1x25x80xi32, #tpu.memory_space<hbm>>
          %dma_wait3A_121 = tpu.memref_squeeze %dma_wait3A_120 : memref<1x1x25x80xi32, #tpu.memory_space<hbm>> -> memref<25x80xi32, #tpu.memory_space<hbm>>
          tpu.wait_dma2 semaphore(%arg20 : memref<!tpu.dma_semaphore, #tpu.memory_space<semaphore_mem>>) src(%dma_wait3A_121 : memref<25x80xi32, #tpu.memory_space<hbm>>) dst(%arg10 : memref<25x80xi32, #tpu.memory_space<vmem>>)
          %dma_wait3A_122 = arith.constant 0 : i32
          %dma_wait3A_123 = arith.constant 0 : i32
          %dma_wait3A_124 = arith.constant 0 : i32
          %dma_wait3A_125 = tpu.memref_slice %arg4[%dma_wait3A_122, %arg1, %dma_wait3A_123, %dma_wait3A_124] : memref<2x16x125x80xi32, #tpu.memory_space<hbm>> -> memref<1x1x25x80xi32, #tpu.memory_space<hbm>>
          %dma_wait3A_126 = tpu.memref_squeeze %dma_wait3A_125 : memref<1x1x25x80xi32, #tpu.memory_space<hbm>> -> memref<25x80xi32, #tpu.memory_space<hbm>>
          %dma_wait3A_127 = arith.constant 0 : i32
          %dma_wait3A_128 = arith.constant 0 : i32
          %dma_wait3A_129 = tpu.memref_slice %arg4[%dma_wait3A_122, %arg1, %dma_wait3A_127, %dma_wait3A_128] : memref<2x16x125x80xi32, #tpu.memory_space<hbm>> -> memref<1x1x25x80xi32, #tpu.memory_space<hbm>>
          %dma_wait3A_130 = tpu.memref_squeeze %dma_wait3A_129 : memref<1x1x25x80xi32, #tpu.memory_space<hbm>> -> memref<25x80xi32, #tpu.memory_space<hbm>>
          tpu.wait_dma2 semaphore(%arg20 : memref<!tpu.dma_semaphore, #tpu.memory_space<semaphore_mem>>) src(%dma_wait3A_130 : memref<25x80xi32, #tpu.memory_space<hbm>>) dst(%arg10 : memref<25x80xi32, #tpu.memory_space<vmem>>)
        } else {
        }
        %dma_start3A = arith.constant 0 : i32
        %dma_start3A_60 = arith.constant 0 : i32
        %dma_start3A_61 = tpu.memref_slice %arg10[%dma_start3A, %dma_start3A_60] : memref<25x80xi32, #tpu.memory_space<vmem>> -> memref<1x80xi32, #tpu.memory_space<vmem>>
        %dma_start3A_62 = tpu.memref_squeeze %dma_start3A_61 : memref<1x80xi32, #tpu.memory_space<vmem>> -> memref<80xi32, #tpu.memory_space<vmem>>
        %dma_start3A_63 = arith.constant 0 : i32
        %dma_start3A_64 = arith.constant 0 : i32
        %dma_start3A_65 = tpu.memref_slice %arg2[%dma_start3A_63, %dma_start3A_64] : memref<10000x128xf32, #tpu.memory_space<hbm>> -> memref<10000x128xf32, #tpu.memory_space<hbm>>
        tpu.enqueue_indirect_dma source(%dma_start3A_65 : memref<10000x128xf32, #tpu.memory_space<hbm>>) target(%arg12 : memref<80x128xf32, #tpu.memory_space<vmem>>) offsets(%dma_start3A_62 : memref<80xi32, #tpu.memory_space<vmem>>) semaphore(%arg16 : memref<!tpu.dma_semaphore, #tpu.memory_space<semaphore_mem>>)
        %dma_start3A_66 = arith.constant 1 : i32
        %dma_start3A_67 = arith.constant 0 : i32
        %dma_start3A_68 = tpu.memref_slice %arg10[%dma_start3A_66, %dma_start3A_67] : memref<25x80xi32, #tpu.memory_space<vmem>> -> memref<1x80xi32, #tpu.memory_space<vmem>>
        %dma_start3A_69 = tpu.memref_squeeze %dma_start3A_68 : memref<1x80xi32, #tpu.memory_space<vmem>> -> memref<80xi32, #tpu.memory_space<vmem>>
        %dma_start3A_70 = arith.constant 0 : i32
        %dma_start3A_71 = arith.constant 0 : i32
        %dma_start3A_72 = tpu.memref_slice %arg2[%dma_start3A_70, %dma_start3A_71] : memref<10000x128xf32, #tpu.memory_space<hbm>> -> memref<10000x128xf32, #tpu.memory_space<hbm>>
        tpu.enqueue_indirect_dma source(%dma_start3A_72 : memref<10000x128xf32, #tpu.memory_space<hbm>>) target(%arg13 : memref<80x128xf32, #tpu.memory_space<vmem>>) offsets(%dma_start3A_69 : memref<80xi32, #tpu.memory_space<vmem>>) semaphore(%arg17 : memref<!tpu.dma_semaphore, #tpu.memory_space<semaphore_mem>>)
        %scan3A_73 = arith.constant 0 : i32
        %scan3A_74 = arith.constant 0 : i32
        %scan3A_75 = arith.constant 8 : i32
        %scan3A_76 = arith.addi %scan3A_74, %scan3A_75 : i32
        %scan3A_77 = arith.constant 1 : i32
        %scan3A_78 = scf.for %scan3A_113 = %scan3A_74 to %scan3A_76 step %scan3A_77 iter_args(%scan3A_114 = %scan3A_73) -> (i32)  : i32 {
          %mul3A_115 = arith.constant 3 : i32
          %mul3A_116 = arith.muli %mul3A_115, %scan3A_113 : i32
          %add3A_117 = arith.constant 0 : i32
          %add3A_118 = arith.addi %mul3A_116, %add3A_117 : i32
          %dma_wait3A_119 = arith.constant 0 : i32
          %dma_wait3A_120 = arith.constant 0 : i32
          %dma_wait3A_121 = tpu.memref_slice %arg2[%dma_wait3A_119, %dma_wait3A_120] : memref<10000x128xf32, #tpu.memory_space<hbm>> -> memref<80x128xf32, #tpu.memory_space<hbm>>
          %dma_wait3A_122 = arith.constant 0 : i32
          %dma_wait3A_123 = arith.constant 0 : i32
          %dma_wait3A_124 = tpu.memref_slice %arg2[%dma_wait3A_122, %dma_wait3A_123] : memref<10000x128xf32, #tpu.memory_space<hbm>> -> memref<80x128xf32, #tpu.memory_space<hbm>>
          tpu.wait_dma2 semaphore(%arg16 : memref<!tpu.dma_semaphore, #tpu.memory_space<semaphore_mem>>) src(%dma_wait3A_124 : memref<80x128xf32, #tpu.memory_space<hbm>>) dst(%arg12 : memref<80x128xf32, #tpu.memory_space<vmem>>)
          %add3A_125 = arith.constant 2 : i32
          %add3A_126 = arith.addi %add3A_118, %add3A_125 : i32
          %lt3A_127 = arith.constant 25 : i32
          %lt3A_128 = arith.cmpi slt, %add3A_126, %lt3A_127 : i32
          %convert_element_type3A_129 = arith.extui %lt3A_128 : i1 to i32
          %cond3A_130 = arith.constant 0 : i32
          %cond3A_131 = arith.cmpi ne, %convert_element_type3A_129, %cond3A_130 : i32
          scf.if %cond3A_131 {
            %add3A_181 = arith.constant 2 : i32
            %add3A_182 = arith.addi %add3A_118, %add3A_181 : i32
            %dma_start3A_183 = arith.constant 0 : i32
            %dma_start3A_184 = tpu.memref_slice %arg10[%add3A_182, %dma_start3A_183] : memref<25x80xi32, #tpu.memory_space<vmem>> -> memref<1x80xi32, #tpu.memory_space<vmem>>
            %dma_start3A_185 = tpu.memref_squeeze %dma_start3A_184 : memref<1x80xi32, #tpu.memory_space<vmem>> -> memref<80xi32, #tpu.memory_space<vmem>>
            %dma_start3A_186 = arith.constant 0 : i32
            %dma_start3A_187 = arith.constant 0 : i32
            %dma_start3A_188 = tpu.memref_slice %arg2[%dma_start3A_186, %dma_start3A_187] : memref<10000x128xf32, #tpu.memory_space<hbm>> -> memref<10000x128xf32, #tpu.memory_space<hbm>>
            tpu.enqueue_indirect_dma source(%dma_start3A_188 : memref<10000x128xf32, #tpu.memory_space<hbm>>) target(%arg14 : memref<80x128xf32, #tpu.memory_space<vmem>>) offsets(%dma_start3A_185 : memref<80xi32, #tpu.memory_space<vmem>>) semaphore(%arg18 : memref<!tpu.dma_semaphore, #tpu.memory_space<semaphore_mem>>)
          } else {
          }
          "tpu.region"() ({
            %run_scoped3A_181 = tpu.sem_alloc : memref<!tpu.dma_semaphore, #tpu.memory_space<semaphore_mem>>
            %dma_start3A_182 = arith.constant 0 : i32
            %dma_start3A_183 = tpu.memref_slice %arg11[%add3A_118, %dma_start3A_182] : memref<25x80xi32, #tpu.memory_space<vmem>> -> memref<1x80xi32, #tpu.memory_space<vmem>>
            %dma_start3A_184 = tpu.memref_squeeze %dma_start3A_183 : memref<1x80xi32, #tpu.memory_space<vmem>> -> memref<80xi32, #tpu.memory_space<vmem>>
            %dma_start3A_185 = arith.constant 0 : i32
            %dma_start3A_186 = arith.constant 0 : i32
            %dma_start3A_187 = tpu.memref_slice %arg8[%dma_start3A_185, %dma_start3A_186] : memref<10240x128xf32, #tpu.memory_space<vmem_shared>> -> memref<10240x128xf32, #tpu.memory_space<vmem_shared>>
            tpu.enqueue_indirect_dma source(%arg12 : memref<80x128xf32, #tpu.memory_space<vmem>>) target(%dma_start3A_187 : memref<10240x128xf32, #tpu.memory_space<vmem_shared>>) offsets(%dma_start3A_184 : memref<80xi32, #tpu.memory_space<vmem>>) semaphore(%run_scoped3A_181 : memref<!tpu.dma_semaphore, #tpu.memory_space<semaphore_mem>>) {add = true}
            %dma_wait3A_188 = arith.constant 0 : i32
            %dma_wait3A_189 = tpu.memref_slice %arg11[%add3A_118, %dma_wait3A_188] : memref<25x80xi32, #tpu.memory_space<vmem>> -> memref<1x80xi32, #tpu.memory_space<vmem>>
            %dma_wait3A_190 = tpu.memref_squeeze %dma_wait3A_189 : memref<1x80xi32, #tpu.memory_space<vmem>> -> memref<80xi32, #tpu.memory_space<vmem>>
            %dma_wait3A_191 = arith.constant 0 : i32
            %dma_wait3A_192 = arith.constant 0 : i32
            %dma_wait3A_193 = tpu.memref_slice %arg8[%dma_wait3A_191, %dma_wait3A_192] : memref<10240x128xf32, #tpu.memory_space<vmem_shared>> -> memref<10240x128xf32, #tpu.memory_space<vmem_shared>>
            tpu.wait_indirect_dma semaphore(%run_scoped3A_181 : memref<!tpu.dma_semaphore, #tpu.memory_space<semaphore_mem>>) src(%arg12 : memref<80x128xf32, #tpu.memory_space<vmem>>) dst(%dma_wait3A_193 : memref<10240x128xf32, #tpu.memory_space<vmem_shared>>)
            tpu.yield
          }) : () -> ()
          %dma_start3A_132 = arith.constant 0 : i32
          %dma_start3A_133 = tpu.memref_slice %arg11[%add3A_118, %dma_start3A_132] : memref<25x80xi32, #tpu.memory_space<vmem>> -> memref<1x80xi32, #tpu.memory_space<vmem>>
          %dma_start3A_134 = tpu.memref_squeeze %dma_start3A_133 : memref<1x80xi32, #tpu.memory_space<vmem>> -> memref<80xi32, #tpu.memory_space<vmem>>
          %dma_start3A_135 = arith.constant 0 : i32
          %dma_start3A_136 = arith.constant 0 : i32
          %dma_start3A_137 = tpu.memref_slice %arg9[%dma_start3A_135, %dma_start3A_136] : memref<10240x16xf32, #tpu.memory_space<vmem_shared>> -> memref<10240x16xf32, #tpu.memory_space<vmem_shared>>
          tpu.enqueue_indirect_dma source(%arg15 : memref<80x16xf32, #tpu.memory_space<vmem>>) target(%dma_start3A_137 : memref<10240x16xf32, #tpu.memory_space<vmem_shared>>) offsets(%dma_start3A_134 : memref<80xi32, #tpu.memory_space<vmem>>) semaphore(%arg19 : memref<!tpu.dma_semaphore, #tpu.memory_space<semaphore_mem>>) {add = true}
          %add3A_138 = arith.constant 1 : i32
          %add3A_139 = arith.addi %mul3A_116, %add3A_138 : i32
          %dma_wait3A_140 = arith.constant 0 : i32
          %dma_wait3A_141 = arith.constant 0 : i32
          %dma_wait3A_142 = tpu.memref_slice %arg2[%dma_wait3A_140, %dma_wait3A_141] : memref<10000x128xf32, #tpu.memory_space<hbm>> -> memref<80x128xf32, #tpu.memory_space<hbm>>
          %dma_wait3A_143 = arith.constant 0 : i32
          %dma_wait3A_144 = arith.constant 0 : i32
          %dma_wait3A_145 = tpu.memref_slice %arg2[%dma_wait3A_143, %dma_wait3A_144] : memref<10000x128xf32, #tpu.memory_space<hbm>> -> memref<80x128xf32, #tpu.memory_space<hbm>>
          tpu.wait_dma2 semaphore(%arg17 : memref<!tpu.dma_semaphore, #tpu.memory_space<semaphore_mem>>) src(%dma_wait3A_145 : memref<80x128xf32, #tpu.memory_space<hbm>>) dst(%arg13 : memref<80x128xf32, #tpu.memory_space<vmem>>)
          %add3A_146 = arith.constant 2 : i32
          %add3A_147 = arith.addi %add3A_139, %add3A_146 : i32
          %lt3A_148 = arith.constant 25 : i32
          %lt3A_149 = arith.cmpi slt, %add3A_147, %lt3A_148 : i32
          %convert_element_type3A_150 = arith.extui %lt3A_149 : i1 to i32
          %cond3A_151 = arith.constant 0 : i32
          %cond3A_152 = arith.cmpi ne, %convert_element_type3A_150, %cond3A_151 : i32
          scf.if %cond3A_152 {
            %add3A_181 = arith.constant 2 : i32
            %add3A_182 = arith.addi %add3A_139, %add3A_181 : i32
            %dma_start3A_183 = arith.constant 0 : i32
            %dma_start3A_184 = tpu.memref_slice %arg10[%add3A_182, %dma_start3A_183] : memref<25x80xi32, #tpu.memory_space<vmem>> -> memref<1x80xi32, #tpu.memory_space<vmem>>
            %dma_start3A_185 = tpu.memref_squeeze %dma_start3A_184 : memref<1x80xi32, #tpu.memory_space<vmem>> -> memref<80xi32, #tpu.memory_space<vmem>>
            %dma_start3A_186 = arith.constant 0 : i32
            %dma_start3A_187 = arith.constant 0 : i32
            %dma_start3A_188 = tpu.memref_slice %arg2[%dma_start3A_186, %dma_start3A_187] : memref<10000x128xf32, #tpu.memory_space<hbm>> -> memref<10000x128xf32, #tpu.memory_space<hbm>>
            tpu.enqueue_indirect_dma source(%dma_start3A_188 : memref<10000x128xf32, #tpu.memory_space<hbm>>) target(%arg12 : memref<80x128xf32, #tpu.memory_space<vmem>>) offsets(%dma_start3A_185 : memref<80xi32, #tpu.memory_space<vmem>>) semaphore(%arg16 : memref<!tpu.dma_semaphore, #tpu.memory_space<semaphore_mem>>)
          } else {
          }
          "tpu.region"() ({
            %run_scoped3A_181 = tpu.sem_alloc : memref<!tpu.dma_semaphore, #tpu.memory_space<semaphore_mem>>
            %dma_start3A_182 = arith.constant 0 : i32
            %dma_start3A_183 = tpu.memref_slice %arg11[%add3A_139, %dma_start3A_182] : memref<25x80xi32, #tpu.memory_space<vmem>> -> memref<1x80xi32, #tpu.memory_space<vmem>>
            %dma_start3A_184 = tpu.memref_squeeze %dma_start3A_183 : memref<1x80xi32, #tpu.memory_space<vmem>> -> memref<80xi32, #tpu.memory_space<vmem>>
            %dma_start3A_185 = arith.constant 0 : i32
            %dma_start3A_186 = arith.constant 0 : i32
            %dma_start3A_187 = tpu.memref_slice %arg8[%dma_start3A_185, %dma_start3A_186] : memref<10240x128xf32, #tpu.memory_space<vmem_shared>> -> memref<10240x128xf32, #tpu.memory_space<vmem_shared>>
            tpu.enqueue_indirect_dma source(%arg13 : memref<80x128xf32, #tpu.memory_space<vmem>>) target(%dma_start3A_187 : memref<10240x128xf32, #tpu.memory_space<vmem_shared>>) offsets(%dma_start3A_184 : memref<80xi32, #tpu.memory_space<vmem>>) semaphore(%run_scoped3A_181 : memref<!tpu.dma_semaphore, #tpu.memory_space<semaphore_mem>>) {add = true}
            %dma_wait3A_188 = arith.constant 0 : i32
            %dma_wait3A_189 = tpu.memref_slice %arg11[%add3A_139, %dma_wait3A_188] : memref<25x80xi32, #tpu.memory_space<vmem>> -> memref<1x80xi32, #tpu.memory_space<vmem>>
            %dma_wait3A_190 = tpu.memref_squeeze %dma_wait3A_189 : memref<1x80xi32, #tpu.memory_space<vmem>> -> memref<80xi32, #tpu.memory_space<vmem>>
            %dma_wait3A_191 = arith.constant 0 : i32
            %dma_wait3A_192 = arith.constant 0 : i32
            %dma_wait3A_193 = tpu.memref_slice %arg8[%dma_wait3A_191, %dma_wait3A_192] : memref<10240x128xf32, #tpu.memory_space<vmem_shared>> -> memref<10240x128xf32, #tpu.memory_space<vmem_shared>>
            tpu.wait_indirect_dma semaphore(%run_scoped3A_181 : memref<!tpu.dma_semaphore, #tpu.memory_space<semaphore_mem>>) src(%arg13 : memref<80x128xf32, #tpu.memory_space<vmem>>) dst(%dma_wait3A_193 : memref<10240x128xf32, #tpu.memory_space<vmem_shared>>)
            tpu.yield
          }) : () -> ()
          %dma_start3A_153 = arith.constant 0 : i32
          %dma_start3A_154 = tpu.memref_slice %arg11[%add3A_139, %dma_start3A_153] : memref<25x80xi32, #tpu.memory_space<vmem>> -> memref<1x80xi32, #tpu.memory_space<vmem>>
          %dma_start3A_155 = tpu.memref_squeeze %dma_start3A_154 : memref<1x80xi32, #tpu.memory_space<vmem>> -> memref<80xi32, #tpu.memory_space<vmem>>
          %dma_start3A_156 = arith.constant 0 : i32
          %dma_start3A_157 = arith.constant 0 : i32
          %dma_start3A_158 = tpu.memref_slice %arg9[%dma_start3A_156, %dma_start3A_157] : memref<10240x16xf32, #tpu.memory_space<vmem_shared>> -> memref<10240x16xf32, #tpu.memory_space<vmem_shared>>
          tpu.enqueue_indirect_dma source(%arg15 : memref<80x16xf32, #tpu.memory_space<vmem>>) target(%dma_start3A_158 : memref<10240x16xf32, #tpu.memory_space<vmem_shared>>) offsets(%dma_start3A_155 : memref<80xi32, #tpu.memory_space<vmem>>) semaphore(%arg19 : memref<!tpu.dma_semaphore, #tpu.memory_space<semaphore_mem>>) {add = true}
          %add3A_159 = arith.constant 2 : i32
          %add3A_160 = arith.addi %mul3A_116, %add3A_159 : i32
          %dma_wait3A_161 = arith.constant 0 : i32
          %dma_wait3A_162 = arith.constant 0 : i32
          %dma_wait3A_163 = tpu.memref_slice %arg2[%dma_wait3A_161, %dma_wait3A_162] : memref<10000x128xf32, #tpu.memory_space<hbm>> -> memref<80x128xf32, #tpu.memory_space<hbm>>
          %dma_wait3A_164 = arith.constant 0 : i32
          %dma_wait3A_165 = arith.constant 0 : i32
          %dma_wait3A_166 = tpu.memref_slice %arg2[%dma_wait3A_164, %dma_wait3A_165] : memref<10000x128xf32, #tpu.memory_space<hbm>> -> memref<80x128xf32, #tpu.memory_space<hbm>>
          tpu.wait_dma2 semaphore(%arg18 : memref<!tpu.dma_semaphore, #tpu.memory_space<semaphore_mem>>) src(%dma_wait3A_166 : memref<80x128xf32, #tpu.memory_space<hbm>>) dst(%arg14 : memref<80x128xf32, #tpu.memory_space<vmem>>)
          %add3A_167 = arith.constant 2 : i32
          %add3A_168 = arith.addi %add3A_160, %add3A_167 : i32
          %lt3A_169 = arith.constant 25 : i32
          %lt3A_170 = arith.cmpi slt, %add3A_168, %lt3A_169 : i32
          %convert_element_type3A_171 = arith.extui %lt3A_170 : i1 to i32
          %cond3A_172 = arith.constant 0 : i32
          %cond3A_173 = arith.cmpi ne, %convert_element_type3A_171, %cond3A_172 : i32
          scf.if %cond3A_173 {
            %add3A_181 = arith.constant 2 : i32
            %add3A_182 = arith.addi %add3A_160, %add3A_181 : i32
            %dma_start3A_183 = arith.constant 0 : i32
            %dma_start3A_184 = tpu.memref_slice %arg10[%add3A_182, %dma_start3A_183] : memref<25x80xi32, #tpu.memory_space<vmem>> -> memref<1x80xi32, #tpu.memory_space<vmem>>
            %dma_start3A_185 = tpu.memref_squeeze %dma_start3A_184 : memref<1x80xi32, #tpu.memory_space<vmem>> -> memref<80xi32, #tpu.memory_space<vmem>>
            %dma_start3A_186 = arith.constant 0 : i32
            %dma_start3A_187 = arith.constant 0 : i32
            %dma_start3A_188 = tpu.memref_slice %arg2[%dma_start3A_186, %dma_start3A_187] : memref<10000x128xf32, #tpu.memory_space<hbm>> -> memref<10000x128xf32, #tpu.memory_space<hbm>>
            tpu.enqueue_indirect_dma source(%dma_start3A_188 : memref<10000x128xf32, #tpu.memory_space<hbm>>) target(%arg13 : memref<80x128xf32, #tpu.memory_space<vmem>>) offsets(%dma_start3A_185 : memref<80xi32, #tpu.memory_space<vmem>>) semaphore(%arg17 : memref<!tpu.dma_semaphore, #tpu.memory_space<semaphore_mem>>)
          } else {
          }
          "tpu.region"() ({
            %run_scoped3A_181 = tpu.sem_alloc : memref<!tpu.dma_semaphore, #tpu.memory_space<semaphore_mem>>
            %dma_start3A_182 = arith.constant 0 : i32
            %dma_start3A_183 = tpu.memref_slice %arg11[%add3A_160, %dma_start3A_182] : memref<25x80xi32, #tpu.memory_space<vmem>> -> memref<1x80xi32, #tpu.memory_space<vmem>>
            %dma_start3A_184 = tpu.memref_squeeze %dma_start3A_183 : memref<1x80xi32, #tpu.memory_space<vmem>> -> memref<80xi32, #tpu.memory_space<vmem>>
            %dma_start3A_185 = arith.constant 0 : i32
            %dma_start3A_186 = arith.constant 0 : i32
            %dma_start3A_187 = tpu.memref_slice %arg8[%dma_start3A_185, %dma_start3A_186] : memref<10240x128xf32, #tpu.memory_space<vmem_shared>> -> memref<10240x128xf32, #tpu.memory_space<vmem_shared>>
            tpu.enqueue_indirect_dma source(%arg14 : memref<80x128xf32, #tpu.memory_space<vmem>>) target(%dma_start3A_187 : memref<10240x128xf32, #tpu.memory_space<vmem_shared>>) offsets(%dma_start3A_184 : memref<80xi32, #tpu.memory_space<vmem>>) semaphore(%run_scoped3A_181 : memref<!tpu.dma_semaphore, #tpu.memory_space<semaphore_mem>>) {add = true}
            %dma_wait3A_188 = arith.constant 0 : i32
            %dma_wait3A_189 = tpu.memref_slice %arg11[%add3A_160, %dma_wait3A_188] : memref<25x80xi32, #tpu.memory_space<vmem>> -> memref<1x80xi32, #tpu.memory_space<vmem>>
            %dma_wait3A_190 = tpu.memref_squeeze %dma_wait3A_189 : memref<1x80xi32, #tpu.memory_space<vmem>> -> memref<80xi32, #tpu.memory_space<vmem>>
            %dma_wait3A_191 = arith.constant 0 : i32
            %dma_wait3A_192 = arith.constant 0 : i32
            %dma_wait3A_193 = tpu.memref_slice %arg8[%dma_wait3A_191, %dma_wait3A_192] : memref<10240x128xf32, #tpu.memory_space<vmem_shared>> -> memref<10240x128xf32, #tpu.memory_space<vmem_shared>>
            tpu.wait_indirect_dma semaphore(%run_scoped3A_181 : memref<!tpu.dma_semaphore, #tpu.memory_space<semaphore_mem>>) src(%arg14 : memref<80x128xf32, #tpu.memory_space<vmem>>) dst(%dma_wait3A_193 : memref<10240x128xf32, #tpu.memory_space<vmem_shared>>)
            tpu.yield
          }) : () -> ()
          %dma_start3A_174 = arith.constant 0 : i32
          %dma_start3A_175 = tpu.memref_slice %arg11[%add3A_160, %dma_start3A_174] : memref<25x80xi32, #tpu.memory_space<vmem>> -> memref<1x80xi32, #tpu.memory_space<vmem>>
          %dma_start3A_176 = tpu.memref_squeeze %dma_start3A_175 : memref<1x80xi32, #tpu.memory_space<vmem>> -> memref<80xi32, #tpu.memory_space<vmem>>
          %dma_start3A_177 = arith.constant 0 : i32
          %dma_start3A_178 = arith.constant 0 : i32
          %dma_start3A_179 = tpu.memref_slice %arg9[%dma_start3A_177, %dma_start3A_178] : memref<10240x16xf32, #tpu.memory_space<vmem_shared>> -> memref<10240x16xf32, #tpu.memory_space<vmem_shared>>
          tpu.enqueue_indirect_dma source(%arg15 : memref<80x16xf32, #tpu.memory_space<vmem>>) target(%dma_start3A_179 : memref<10240x16xf32, #tpu.memory_space<vmem_shared>>) offsets(%dma_start3A_176 : memref<80xi32, #tpu.memory_space<vmem>>) semaphore(%arg19 : memref<!tpu.dma_semaphore, #tpu.memory_space<semaphore_mem>>) {add = true}
          %scan3A_180 = arith.constant 0 : i32
          scf.yield %scan3A_180 : i32
        }
        %scan3A_79 = arith.constant 8 : i32
        %dma_wait3A = arith.constant 0 : i32
        %dma_wait3A_80 = arith.constant 0 : i32
        %dma_wait3A_81 = tpu.memref_slice %arg2[%dma_wait3A, %dma_wait3A_80] : memref<10000x128xf32, #tpu.memory_space<hbm>> -> memref<80x128xf32, #tpu.memory_space<hbm>>
        %dma_wait3A_82 = arith.constant 0 : i32
        %dma_wait3A_83 = arith.constant 0 : i32
        %dma_wait3A_84 = tpu.memref_slice %arg2[%dma_wait3A_82, %dma_wait3A_83] : memref<10000x128xf32, #tpu.memory_space<hbm>> -> memref<80x128xf32, #tpu.memory_space<hbm>>
        tpu.wait_dma2 semaphore(%arg16 : memref<!tpu.dma_semaphore, #tpu.memory_space<semaphore_mem>>) src(%dma_wait3A_84 : memref<80x128xf32, #tpu.memory_space<hbm>>) dst(%arg12 : memref<80x128xf32, #tpu.memory_space<vmem>>)
        %add3A_85 = arith.constant 1 : i32
        %add3A_86 = arith.addi %scan3A_49, %add3A_85 : i32
        %lt3A = arith.constant 5 : i32
        %lt3A_87 = arith.cmpi slt, %add3A_86, %lt3A : i32
        %convert_element_type3A_88 = arith.extui %lt3A_87 : i1 to i32
        %cond3A_89 = arith.constant 0 : i32
        %cond3A_90 = arith.cmpi ne, %convert_element_type3A_88, %cond3A_89 : i32
        scf.if %cond3A_90 {
          %add3A_113 = arith.constant 1 : i32
          %add3A_114 = arith.addi %scan3A_49, %add3A_113 : i32
          %mul3A_115 = arith.constant 25 : i32
          %mul3A_116 = arith.muli %add3A_114, %mul3A_115 : i32
          %dma_start3A_117 = arith.constant 0 : i32
          %dma_start3A_118 = arith.constant 0 : i32
          %dma_start3A_119 = tpu.memref_slice %arg4[%dma_start3A_117, %arg1, %mul3A_116, %dma_start3A_118] : memref<2x16x125x80xi32, #tpu.memory_space<hbm>> -> memref<1x1x25x80xi32, #tpu.memory_space<hbm>>
          %dma_start3A_120 = tpu.memref_squeeze %dma_start3A_119 : memref<1x1x25x80xi32, #tpu.memory_space<hbm>> -> memref<25x80xi32, #tpu.memory_space<hbm>>
          %dma_start3A_121 = arith.constant 0 : i32
          %dma_start3A_122 = tpu.memref_slice %arg4[%dma_start3A_117, %arg1, %mul3A_116, %dma_start3A_121] : memref<2x16x125x80xi32, #tpu.memory_space<hbm>> -> memref<1x1x25x80xi32, #tpu.memory_space<hbm>>
          %dma_start3A_123 = tpu.memref_squeeze %dma_start3A_122 : memref<1x1x25x80xi32, #tpu.memory_space<hbm>> -> memref<25x80xi32, #tpu.memory_space<hbm>>
          tpu.enqueue_dma source(%dma_start3A_123 : memref<25x80xi32, #tpu.memory_space<hbm>>) target(%arg10 : memref<25x80xi32, #tpu.memory_space<vmem>>) target_semaphore(%arg20 : memref<!tpu.dma_semaphore, #tpu.memory_space<semaphore_mem>>)
        } else {
        }
        %run_scoped3A = arith.constant 24 : i32
        "tpu.region"() ({
          %run_scoped3A_113 = tpu.sem_alloc : memref<!tpu.dma_semaphore, #tpu.memory_space<semaphore_mem>>
          %dma_start3A_114 = arith.constant 0 : i32
          %dma_start3A_115 = tpu.memref_slice %arg11[%run_scoped3A, %dma_start3A_114] : memref<25x80xi32, #tpu.memory_space<vmem>> -> memref<1x80xi32, #tpu.memory_space<vmem>>
          %dma_start3A_116 = tpu.memref_squeeze %dma_start3A_115 : memref<1x80xi32, #tpu.memory_space<vmem>> -> memref<80xi32, #tpu.memory_space<vmem>>
          %dma_start3A_117 = arith.constant 0 : i32
          %dma_start3A_118 = arith.constant 0 : i32
          %dma_start3A_119 = tpu.memref_slice %arg8[%dma_start3A_117, %dma_start3A_118] : memref<10240x128xf32, #tpu.memory_space<vmem_shared>> -> memref<10240x128xf32, #tpu.memory_space<vmem_shared>>
          tpu.enqueue_indirect_dma source(%arg12 : memref<80x128xf32, #tpu.memory_space<vmem>>) target(%dma_start3A_119 : memref<10240x128xf32, #tpu.memory_space<vmem_shared>>) offsets(%dma_start3A_116 : memref<80xi32, #tpu.memory_space<vmem>>) semaphore(%run_scoped3A_113 : memref<!tpu.dma_semaphore, #tpu.memory_space<semaphore_mem>>) {add = true}
          %dma_wait3A_120 = arith.constant 0 : i32
          %dma_wait3A_121 = tpu.memref_slice %arg11[%run_scoped3A, %dma_wait3A_120] : memref<25x80xi32, #tpu.memory_space<vmem>> -> memref<1x80xi32, #tpu.memory_space<vmem>>
          %dma_wait3A_122 = tpu.memref_squeeze %dma_wait3A_121 : memref<1x80xi32, #tpu.memory_space<vmem>> -> memref<80xi32, #tpu.memory_space<vmem>>
          %dma_wait3A_123 = arith.constant 0 : i32
          %dma_wait3A_124 = arith.constant 0 : i32
          %dma_wait3A_125 = tpu.memref_slice %arg8[%dma_wait3A_123, %dma_wait3A_124] : memref<10240x128xf32, #tpu.memory_space<vmem_shared>> -> memref<10240x128xf32, #tpu.memory_space<vmem_shared>>
          tpu.wait_indirect_dma semaphore(%run_scoped3A_113 : memref<!tpu.dma_semaphore, #tpu.memory_space<semaphore_mem>>) src(%arg12 : memref<80x128xf32, #tpu.memory_space<vmem>>) dst(%dma_wait3A_125 : memref<10240x128xf32, #tpu.memory_space<vmem_shared>>)
          tpu.yield
        }) : () -> ()
        %dma_start3A_91 = arith.constant 24 : i32
        %dma_start3A_92 = arith.constant 0 : i32
        %dma_start3A_93 = tpu.memref_slice %arg11[%dma_start3A_91, %dma_start3A_92] : memref<25x80xi32, #tpu.memory_space<vmem>> -> memref<1x80xi32, #tpu.memory_space<vmem>>
        %dma_start3A_94 = tpu.memref_squeeze %dma_start3A_93 : memref<1x80xi32, #tpu.memory_space<vmem>> -> memref<80xi32, #tpu.memory_space<vmem>>
        %dma_start3A_95 = arith.constant 0 : i32
        %dma_start3A_96 = arith.constant 0 : i32
        %dma_start3A_97 = tpu.memref_slice %arg9[%dma_start3A_95, %dma_start3A_96] : memref<10240x16xf32, #tpu.memory_space<vmem_shared>> -> memref<10240x16xf32, #tpu.memory_space<vmem_shared>>
        tpu.enqueue_indirect_dma source(%arg15 : memref<80x16xf32, #tpu.memory_space<vmem>>) target(%dma_start3A_97 : memref<10240x16xf32, #tpu.memory_space<vmem_shared>>) offsets(%dma_start3A_94 : memref<80xi32, #tpu.memory_space<vmem>>) semaphore(%arg19 : memref<!tpu.dma_semaphore, #tpu.memory_space<semaphore_mem>>) {add = true}
        %scan3A_98 = arith.constant 0 : i32
        %scan3A_99 = arith.constant 0 : i32
        %scan3A_100 = arith.constant 25 : i32
        %scan3A_101 = arith.addi %scan3A_99, %scan3A_100 : i32
        %scan3A_102 = arith.constant 1 : i32
        %scan3A_103 = scf.for %scan3A_113 = %scan3A_99 to %scan3A_101 step %scan3A_102 iter_args(%scan3A_114 = %scan3A_98) -> (i32)  : i32 {
          %dma_wait3A_115 = arith.constant 0 : i32
          %dma_wait3A_116 = arith.constant 0 : i32
          %dma_wait3A_117 = tpu.memref_slice %arg9[%dma_wait3A_115, %dma_wait3A_116] : memref<10240x16xf32, #tpu.memory_space<vmem_shared>> -> memref<80x16xf32, #tpu.memory_space<vmem_shared>>
          %dma_wait3A_118 = arith.constant 0 : i32
          %dma_wait3A_119 = arith.constant 0 : i32
          %dma_wait3A_120 = tpu.memref_slice %arg7[%dma_wait3A_118, %dma_wait3A_119] : memref<10240x16xf32, #tpu.memory_space<hbm>> -> memref<80x16xf32, #tpu.memory_space<hbm>>
          tpu.wait_dma2 semaphore(%arg19 : memref<!tpu.dma_semaphore, #tpu.memory_space<semaphore_mem>>) src(%dma_wait3A_120 : memref<80x16xf32, #tpu.memory_space<hbm>>) dst(%dma_wait3A_117 : memref<80x16xf32, #tpu.memory_space<vmem_shared>>)
          %scan3A_121 = arith.constant 0 : i32
          scf.yield %scan3A_121 : i32
        }
        %scan3A_104 = arith.constant 25 : i32
        %add3A_105 = arith.constant 1 : i32
        %add3A_106 = arith.addi %scan3A_49, %add3A_105 : i32
        %lt3A_107 = arith.constant 5 : i32
        %lt3A_108 = arith.cmpi slt, %add3A_106, %lt3A_107 : i32
        %convert_element_type3A_109 = arith.extui %lt3A_108 : i1 to i32
        %cond3A_110 = arith.constant 0 : i32
        %cond3A_111 = arith.cmpi ne, %convert_element_type3A_109, %cond3A_110 : i32
        scf.if %cond3A_111 {
          %add3A_113 = arith.constant 1 : i32
          %add3A_114 = arith.addi %scan3A_49, %add3A_113 : i32
          %mul3A_115 = arith.constant 25 : i32
          %mul3A_116 = arith.muli %add3A_114, %mul3A_115 : i32
          %dma_start3A_117 = arith.constant 1 : i32
          %dma_start3A_118 = arith.constant 0 : i32
          %dma_start3A_119 = tpu.memref_slice %arg4[%dma_start3A_117, %arg1, %mul3A_116, %dma_start3A_118] : memref<2x16x125x80xi32, #tpu.memory_space<hbm>> -> memref<1x1x25x80xi32, #tpu.memory_space<hbm>>
          %dma_start3A_120 = tpu.memref_squeeze %dma_start3A_119 : memref<1x1x25x80xi32, #tpu.memory_space<hbm>> -> memref<25x80xi32, #tpu.memory_space<hbm>>
          %dma_start3A_121 = arith.constant 0 : i32
          %dma_start3A_122 = tpu.memref_slice %arg4[%dma_start3A_117, %arg1, %mul3A_116, %dma_start3A_121] : memref<2x16x125x80xi32, #tpu.memory_space<hbm>> -> memref<1x1x25x80xi32, #tpu.memory_space<hbm>>
          %dma_start3A_123 = tpu.memref_squeeze %dma_start3A_122 : memref<1x1x25x80xi32, #tpu.memory_space<hbm>> -> memref<25x80xi32, #tpu.memory_space<hbm>>
          tpu.enqueue_dma source(%dma_start3A_123 : memref<25x80xi32, #tpu.memory_space<hbm>>) target(%arg11 : memref<25x80xi32, #tpu.memory_space<vmem>>) target_semaphore(%arg20 : memref<!tpu.dma_semaphore, #tpu.memory_space<semaphore_mem>>)
        } else {
        }
        %scan3A_112 = arith.constant 0 : i32
        scf.yield %scan3A_112 : i32
      }
      %scan3A_47 = arith.constant 5 : i32
      %barrier3A_48 = arith.constant 0 : index
      tpu.barrier barrier_id(%barrier3A_48)
      "tpu.region"() ({
        %run_scoped3A = tpu.sem_alloc : memref<!tpu.dma_semaphore, #tpu.memory_space<semaphore_mem>>
        %dma_start3A = arith.constant 0 : i32
        %dma_start3A_49 = tpu.memref_slice %arg5[%mul3A_0, %dma_start3A] : memref<10240x128xf32, #tpu.memory_space<hbm>> -> memref<640x128xf32, #tpu.memory_space<hbm>>
        %dma_start3A_50 = arith.constant 0 : i32
        %dma_start3A_51 = tpu.memref_slice %arg8[%mul3A_0, %dma_start3A_50] : memref<10240x128xf32, #tpu.memory_space<vmem_shared>> -> memref<640x128xf32, #tpu.memory_space<vmem_shared>>
        tpu.enqueue_dma source(%dma_start3A_51 : memref<640x128xf32, #tpu.memory_space<vmem_shared>>) target(%dma_start3A_49 : memref<640x128xf32, #tpu.memory_space<hbm>>) target_semaphore(%run_scoped3A : memref<!tpu.dma_semaphore, #tpu.memory_space<semaphore_mem>>)
        %dma_wait3A = arith.constant 0 : i32
        %dma_wait3A_52 = tpu.memref_slice %arg5[%mul3A_0, %dma_wait3A] : memref<10240x128xf32, #tpu.memory_space<hbm>> -> memref<640x128xf32, #tpu.memory_space<hbm>>
        %dma_wait3A_53 = arith.constant 0 : i32
        %dma_wait3A_54 = tpu.memref_slice %arg8[%mul3A_0, %dma_wait3A_53] : memref<10240x128xf32, #tpu.memory_space<vmem_shared>> -> memref<640x128xf32, #tpu.memory_space<vmem_shared>>
        tpu.wait_dma2 semaphore(%run_scoped3A : memref<!tpu.dma_semaphore, #tpu.memory_space<semaphore_mem>>) src(%dma_wait3A_54 : memref<640x128xf32, #tpu.memory_space<vmem_shared>>) dst(%dma_wait3A_52 : memref<640x128xf32, #tpu.memory_space<hbm>>)
        tpu.yield
      }) : () -> ()
      "tpu.region"() ({
        %run_scoped3A = tpu.sem_alloc : memref<!tpu.dma_semaphore, #tpu.memory_space<semaphore_mem>>
        %dma_start3A = arith.constant 0 : i32
        %dma_start3A_49 = tpu.memref_slice %arg7[%mul3A_0, %dma_start3A] : memref<10240x16xf32, #tpu.memory_space<hbm>> -> memref<640x16xf32, #tpu.memory_space<hbm>>
        %dma_start3A_50 = arith.constant 0 : i32
        %dma_start3A_51 = tpu.memref_slice %arg9[%mul3A_0, %dma_start3A_50] : memref<10240x16xf32, #tpu.memory_space<vmem_shared>> -> memref<640x16xf32, #tpu.memory_space<vmem_shared>>
        tpu.enqueue_dma source(%dma_start3A_51 : memref<640x16xf32, #tpu.memory_space<vmem_shared>>) target(%dma_start3A_49 : memref<640x16xf32, #tpu.memory_space<hbm>>) target_semaphore(%run_scoped3A : memref<!tpu.dma_semaphore, #tpu.memory_space<semaphore_mem>>)
        %dma_wait3A = arith.constant 0 : i32
        %dma_wait3A_52 = tpu.memref_slice %arg7[%mul3A_0, %dma_wait3A] : memref<10240x16xf32, #tpu.memory_space<hbm>> -> memref<640x16xf32, #tpu.memory_space<hbm>>
        %dma_wait3A_53 = arith.constant 0 : i32
        %dma_wait3A_54 = tpu.memref_slice %arg9[%mul3A_0, %dma_wait3A_53] : memref<10240x16xf32, #tpu.memory_space<vmem_shared>> -> memref<640x16xf32, #tpu.memory_space<vmem_shared>>
        tpu.wait_dma2 semaphore(%run_scoped3A : memref<!tpu.dma_semaphore, #tpu.memory_space<semaphore_mem>>) src(%dma_wait3A_54 : memref<640x16xf32, #tpu.memory_space<vmem_shared>>) dst(%dma_wait3A_52 : memref<640x16xf32, #tpu.memory_space<hbm>>)
        tpu.yield
      }) : () -> ()
    } else {
    }
    %eq3A_36 = arith.constant 1 : i32
    %eq3A_37 = arith.cmpi eq, %arg0, %eq3A_36 : i32
    %convert_element_type3A_38 = arith.extui %eq3A_37 : i1 to i32
    %cond3A_39 = arith.constant 0 : i32
    %cond3A_40 = arith.cmpi ne, %convert_element_type3A_38, %cond3A_39 : i32
    scf.if %cond3A_40 {
      %scan3A_41 = arith.constant 0 : i32
      %scan3A_42 = arith.constant 0 : i32
      %scan3A_43 = arith.constant 5 : i32
      %scan3A_44 = arith.addi %scan3A_42, %scan3A_43 : i32
      %scan3A_45 = arith.constant 1 : i32
      %scan3A_46 = scf.for %scan3A_49 = %scan3A_42 to %scan3A_44 step %scan3A_45 iter_args(%scan3A_50 = %scan3A_41) -> (i32)  : i32 {
        %eq3A_51 = arith.constant 0 : i32
        %eq3A_52 = arith.cmpi eq, %scan3A_49, %eq3A_51 : i32
        %convert_element_type3A_53 = arith.extui %eq3A_52 : i1 to i32
        %cond3A_54 = arith.constant 0 : i32
        %cond3A_55 = arith.cmpi ne, %convert_element_type3A_53, %cond3A_54 : i32
        scf.if %cond3A_55 {
          %mul3A_99 = arith.constant 25 : i32
          %mul3A_100 = arith.muli %scan3A_49, %mul3A_99 : i32
          %run_scoped3A_101 = arith.constant 0 : i32
          "tpu.region"() ({
            %run_scoped3A_105 = tpu.sem_alloc : memref<!tpu.dma_semaphore, #tpu.memory_space<semaphore_mem>>
            %dma_start3A_106 = arith.constant 0 : i32
            %dma_start3A_107 = tpu.memref_slice %arg4[%run_scoped3A_101, %arg1, %mul3A_100, %dma_start3A_106] : memref<2x16x125x80xi32, #tpu.memory_space<hbm>> -> memref<1x1x25x80xi32, #tpu.memory_space<hbm>>
            %dma_start3A_108 = tpu.memref_squeeze %dma_start3A_107 : memref<1x1x25x80xi32, #tpu.memory_space<hbm>> -> memref<25x80xi32, #tpu.memory_space<hbm>>
            %dma_start3A_109 = arith.constant 0 : i32
            %dma_start3A_110 = tpu.memref_slice %arg4[%run_scoped3A_101, %arg1, %mul3A_100, %dma_start3A_109] : memref<2x16x125x80xi32, #tpu.memory_space<hbm>> -> memref<1x1x25x80xi32, #tpu.memory_space<hbm>>
            %dma_start3A_111 = tpu.memref_squeeze %dma_start3A_110 : memref<1x1x25x80xi32, #tpu.memory_space<hbm>> -> memref<25x80xi32, #tpu.memory_space<hbm>>
            tpu.enqueue_dma source(%dma_start3A_111 : memref<25x80xi32, #tpu.memory_space<hbm>>) target(%arg10 : memref<25x80xi32, #tpu.memory_space<vmem>>) target_semaphore(%run_scoped3A_105 : memref<!tpu.dma_semaphore, #tpu.memory_space<semaphore_mem>>)
            %dma_wait3A_112 = arith.constant 0 : i32
            %dma_wait3A_113 = tpu.memref_slice %arg4[%run_scoped3A_101, %arg1, %mul3A_100, %dma_wait3A_112] : memref<2x16x125x80xi32, #tpu.memory_space<hbm>> -> memref<1x1x25x80xi32, #tpu.memory_space<hbm>>
            %dma_wait3A_114 = tpu.memref_squeeze %dma_wait3A_113 : memref<1x1x25x80xi32, #tpu.memory_space<hbm>> -> memref<25x80xi32, #tpu.memory_space<hbm>>
            %dma_wait3A_115 = arith.constant 0 : i32
            %dma_wait3A_116 = tpu.memref_slice %arg4[%run_scoped3A_101, %arg1, %mul3A_100, %dma_wait3A_115] : memref<2x16x125x80xi32, #tpu.memory_space<hbm>> -> memref<1x1x25x80xi32, #tpu.memory_space<hbm>>
            %dma_wait3A_117 = tpu.memref_squeeze %dma_wait3A_116 : memref<1x1x25x80xi32, #tpu.memory_space<hbm>> -> memref<25x80xi32, #tpu.memory_space<hbm>>
            tpu.wait_dma2 semaphore(%run_scoped3A_105 : memref<!tpu.dma_semaphore, #tpu.memory_space<semaphore_mem>>) src(%dma_wait3A_117 : memref<25x80xi32, #tpu.memory_space<hbm>>) dst(%arg10 : memref<25x80xi32, #tpu.memory_space<vmem>>)
            tpu.yield
          }) : () -> ()
          %mul3A_102 = arith.constant 25 : i32
          %mul3A_103 = arith.muli %scan3A_49, %mul3A_102 : i32
          %run_scoped3A_104 = arith.constant 1 : i32
          "tpu.region"() ({
            %run_scoped3A_105 = tpu.sem_alloc : memref<!tpu.dma_semaphore, #tpu.memory_space<semaphore_mem>>
            %dma_start3A_106 = arith.constant 0 : i32
            %dma_start3A_107 = tpu.memref_slice %arg4[%run_scoped3A_104, %arg1, %mul3A_103, %dma_start3A_106] : memref<2x16x125x80xi32, #tpu.memory_space<hbm>> -> memref<1x1x25x80xi32, #tpu.memory_space<hbm>>
            %dma_start3A_108 = tpu.memref_squeeze %dma_start3A_107 : memref<1x1x25x80xi32, #tpu.memory_space<hbm>> -> memref<25x80xi32, #tpu.memory_space<hbm>>
            %dma_start3A_109 = arith.constant 0 : i32
            %dma_start3A_110 = tpu.memref_slice %arg4[%run_scoped3A_104, %arg1, %mul3A_103, %dma_start3A_109] : memref<2x16x125x80xi32, #tpu.memory_space<hbm>> -> memref<1x1x25x80xi32, #tpu.memory_space<hbm>>
            %dma_start3A_111 = tpu.memref_squeeze %dma_start3A_110 : memref<1x1x25x80xi32, #tpu.memory_space<hbm>> -> memref<25x80xi32, #tpu.memory_space<hbm>>
            tpu.enqueue_dma source(%dma_start3A_111 : memref<25x80xi32, #tpu.memory_space<hbm>>) target(%arg11 : memref<25x80xi32, #tpu.memory_space<vmem>>) target_semaphore(%run_scoped3A_105 : memref<!tpu.dma_semaphore, #tpu.memory_space<semaphore_mem>>)
            %dma_wait3A_112 = arith.constant 0 : i32
            %dma_wait3A_113 = tpu.memref_slice %arg4[%run_scoped3A_104, %arg1, %mul3A_103, %dma_wait3A_112] : memref<2x16x125x80xi32, #tpu.memory_space<hbm>> -> memref<1x1x25x80xi32, #tpu.memory_space<hbm>>
            %dma_wait3A_114 = tpu.memref_squeeze %dma_wait3A_113 : memref<1x1x25x80xi32, #tpu.memory_space<hbm>> -> memref<25x80xi32, #tpu.memory_space<hbm>>
            %dma_wait3A_115 = arith.constant 0 : i32
            %dma_wait3A_116 = tpu.memref_slice %arg4[%run_scoped3A_104, %arg1, %mul3A_103, %dma_wait3A_115] : memref<2x16x125x80xi32, #tpu.memory_space<hbm>> -> memref<1x1x25x80xi32, #tpu.memory_space<hbm>>
            %dma_wait3A_117 = tpu.memref_squeeze %dma_wait3A_116 : memref<1x1x25x80xi32, #tpu.memory_space<hbm>> -> memref<25x80xi32, #tpu.memory_space<hbm>>
            tpu.wait_dma2 semaphore(%run_scoped3A_105 : memref<!tpu.dma_semaphore, #tpu.memory_space<semaphore_mem>>) src(%dma_wait3A_117 : memref<25x80xi32, #tpu.memory_space<hbm>>) dst(%arg11 : memref<25x80xi32, #tpu.memory_space<vmem>>)
            tpu.yield
          }) : () -> ()
        } else {
        }
        %gt3A = arith.constant 0 : i32
        %gt3A_56 = arith.cmpi sgt, %scan3A_49, %gt3A : i32
        %convert_element_type3A_57 = arith.extui %gt3A_56 : i1 to i32
        %cond3A_58 = arith.constant 0 : i32
        %cond3A_59 = arith.cmpi ne, %convert_element_type3A_57, %cond3A_58 : i32
        scf.if %cond3A_59 {
          %dma_wait3A_99 = arith.constant 0 : i32
          %dma_wait3A_100 = arith.constant 0 : i32
          %dma_wait3A_101 = arith.constant 0 : i32
          %dma_wait3A_102 = tpu.memref_slice %arg4[%dma_wait3A_99, %arg1, %dma_wait3A_100, %dma_wait3A_101] : memref<2x16x125x80xi32, #tpu.memory_space<hbm>> -> memref<1x1x25x80xi32, #tpu.memory_space<hbm>>
          %dma_wait3A_103 = tpu.memref_squeeze %dma_wait3A_102 : memref<1x1x25x80xi32, #tpu.memory_space<hbm>> -> memref<25x80xi32, #tpu.memory_space<hbm>>
          %dma_wait3A_104 = arith.constant 0 : i32
          %dma_wait3A_105 = arith.constant 0 : i32
          %dma_wait3A_106 = tpu.memref_slice %arg4[%dma_wait3A_99, %arg1, %dma_wait3A_104, %dma_wait3A_105] : memref<2x16x125x80xi32, #tpu.memory_space<hbm>> -> memref<1x1x25x80xi32, #tpu.memory_space<hbm>>
          %dma_wait3A_107 = tpu.memref_squeeze %dma_wait3A_106 : memref<1x1x25x80xi32, #tpu.memory_space<hbm>> -> memref<25x80xi32, #tpu.memory_space<hbm>>
          tpu.wait_dma2 semaphore(%arg20 : memref<!tpu.dma_semaphore, #tpu.memory_space<semaphore_mem>>) src(%dma_wait3A_107 : memref<25x80xi32, #tpu.memory_space<hbm>>) dst(%arg10 : memref<25x80xi32, #tpu.memory_space<vmem>>)
          %dma_wait3A_108 = arith.constant 0 : i32
          %dma_wait3A_109 = arith.constant 0 : i32
          %dma_wait3A_110 = arith.constant 0 : i32
          %dma_wait3A_111 = tpu.memref_slice %arg4[%dma_wait3A_108, %arg1, %dma_wait3A_109, %dma_wait3A_110] : memref<2x16x125x80xi32, #tpu.memory_space<hbm>> -> memref<1x1x25x80xi32, #tpu.memory_space<hbm>>
          %dma_wait3A_112 = tpu.memref_squeeze %dma_wait3A_111 : memref<1x1x25x80xi32, #tpu.memory_space<hbm>> -> memref<25x80xi32, #tpu.memory_space<hbm>>
          %dma_wait3A_113 = arith.constant 0 : i32
          %dma_wait3A_114 = arith.constant 0 : i32
          %dma_wait3A_115 = tpu.memref_slice %arg4[%dma_wait3A_108, %arg1, %dma_wait3A_113, %dma_wait3A_114] : memref<2x16x125x80xi32, #tpu.memory_space<hbm>> -> memref<1x1x25x80xi32, #tpu.memory_space<hbm>>
          %dma_wait3A_116 = tpu.memref_squeeze %dma_wait3A_115 : memref<1x1x25x80xi32, #tpu.memory_space<hbm>> -> memref<25x80xi32, #tpu.memory_space<hbm>>
          tpu.wait_dma2 semaphore(%arg20 : memref<!tpu.dma_semaphore, #tpu.memory_space<semaphore_mem>>) src(%dma_wait3A_116 : memref<25x80xi32, #tpu.memory_space<hbm>>) dst(%arg10 : memref<25x80xi32, #tpu.memory_space<vmem>>)
        } else {
        }
        %dma_start3A = arith.constant 0 : i32
        %dma_start3A_60 = arith.constant 0 : i32
        %dma_start3A_61 = tpu.memref_slice %arg10[%dma_start3A, %dma_start3A_60] : memref<25x80xi32, #tpu.memory_space<vmem>> -> memref<1x80xi32, #tpu.memory_space<vmem>>
        %dma_start3A_62 = tpu.memref_squeeze %dma_start3A_61 : memref<1x80xi32, #tpu.memory_space<vmem>> -> memref<80xi32, #tpu.memory_space<vmem>>
        %dma_start3A_63 = arith.constant 0 : i32
        %dma_start3A_64 = arith.constant 0 : i32
        %dma_start3A_65 = tpu.memref_slice %arg3[%dma_start3A_63, %dma_start3A_64] : memref<10000x128xf32, #tpu.memory_space<hbm>> -> memref<10000x128xf32, #tpu.memory_space<hbm>>
        tpu.enqueue_indirect_dma source(%dma_start3A_65 : memref<10000x128xf32, #tpu.memory_space<hbm>>) target(%arg12 : memref<80x128xf32, #tpu.memory_space<vmem>>) offsets(%dma_start3A_62 : memref<80xi32, #tpu.memory_space<vmem>>) semaphore(%arg16 : memref<!tpu.dma_semaphore, #tpu.memory_space<semaphore_mem>>)
        %dma_start3A_66 = arith.constant 1 : i32
        %dma_start3A_67 = arith.constant 0 : i32
        %dma_start3A_68 = tpu.memref_slice %arg10[%dma_start3A_66, %dma_start3A_67] : memref<25x80xi32, #tpu.memory_space<vmem>> -> memref<1x80xi32, #tpu.memory_space<vmem>>
        %dma_start3A_69 = tpu.memref_squeeze %dma_start3A_68 : memref<1x80xi32, #tpu.memory_space<vmem>> -> memref<80xi32, #tpu.memory_space<vmem>>
        %dma_start3A_70 = arith.constant 0 : i32
        %dma_start3A_71 = arith.constant 0 : i32
        %dma_start3A_72 = tpu.memref_slice %arg3[%dma_start3A_70, %dma_start3A_71] : memref<10000x128xf32, #tpu.memory_space<hbm>> -> memref<10000x128xf32, #tpu.memory_space<hbm>>
        tpu.enqueue_indirect_dma source(%dma_start3A_72 : memref<10000x128xf32, #tpu.memory_space<hbm>>) target(%arg13 : memref<80x128xf32, #tpu.memory_space<vmem>>) offsets(%dma_start3A_69 : memref<80xi32, #tpu.memory_space<vmem>>) semaphore(%arg17 : memref<!tpu.dma_semaphore, #tpu.memory_space<semaphore_mem>>)
        %scan3A_73 = arith.constant 0 : i32
        %scan3A_74 = arith.constant 0 : i32
        %scan3A_75 = arith.constant 8 : i32
        %scan3A_76 = arith.addi %scan3A_74, %scan3A_75 : i32
        %scan3A_77 = arith.constant 1 : i32
        %scan3A_78 = scf.for %scan3A_99 = %scan3A_74 to %scan3A_76 step %scan3A_77 iter_args(%scan3A_100 = %scan3A_73) -> (i32)  : i32 {
          %mul3A_101 = arith.constant 3 : i32
          %mul3A_102 = arith.muli %mul3A_101, %scan3A_99 : i32
          %add3A_103 = arith.constant 0 : i32
          %add3A_104 = arith.addi %mul3A_102, %add3A_103 : i32
          %dma_wait3A_105 = arith.constant 0 : i32
          %dma_wait3A_106 = arith.constant 0 : i32
          %dma_wait3A_107 = tpu.memref_slice %arg3[%dma_wait3A_105, %dma_wait3A_106] : memref<10000x128xf32, #tpu.memory_space<hbm>> -> memref<80x128xf32, #tpu.memory_space<hbm>>
          %dma_wait3A_108 = arith.constant 0 : i32
          %dma_wait3A_109 = arith.constant 0 : i32
          %dma_wait3A_110 = tpu.memref_slice %arg3[%dma_wait3A_108, %dma_wait3A_109] : memref<10000x128xf32, #tpu.memory_space<hbm>> -> memref<80x128xf32, #tpu.memory_space<hbm>>
          tpu.wait_dma2 semaphore(%arg16 : memref<!tpu.dma_semaphore, #tpu.memory_space<semaphore_mem>>) src(%dma_wait3A_110 : memref<80x128xf32, #tpu.memory_space<hbm>>) dst(%arg12 : memref<80x128xf32, #tpu.memory_space<vmem>>)
          %add3A_111 = arith.constant 2 : i32
          %add3A_112 = arith.addi %add3A_104, %add3A_111 : i32
          %lt3A_113 = arith.constant 25 : i32
          %lt3A_114 = arith.cmpi slt, %add3A_112, %lt3A_113 : i32
          %convert_element_type3A_115 = arith.extui %lt3A_114 : i1 to i32
          %cond3A_116 = arith.constant 0 : i32
          %cond3A_117 = arith.cmpi ne, %convert_element_type3A_115, %cond3A_116 : i32
          scf.if %cond3A_117 {
            %add3A_149 = arith.constant 2 : i32
            %add3A_150 = arith.addi %add3A_104, %add3A_149 : i32
            %dma_start3A_151 = arith.constant 0 : i32
            %dma_start3A_152 = tpu.memref_slice %arg10[%add3A_150, %dma_start3A_151] : memref<25x80xi32, #tpu.memory_space<vmem>> -> memref<1x80xi32, #tpu.memory_space<vmem>>
            %dma_start3A_153 = tpu.memref_squeeze %dma_start3A_152 : memref<1x80xi32, #tpu.memory_space<vmem>> -> memref<80xi32, #tpu.memory_space<vmem>>
            %dma_start3A_154 = arith.constant 0 : i32
            %dma_start3A_155 = arith.constant 0 : i32
            %dma_start3A_156 = tpu.memref_slice %arg3[%dma_start3A_154, %dma_start3A_155] : memref<10000x128xf32, #tpu.memory_space<hbm>> -> memref<10000x128xf32, #tpu.memory_space<hbm>>
            tpu.enqueue_indirect_dma source(%dma_start3A_156 : memref<10000x128xf32, #tpu.memory_space<hbm>>) target(%arg14 : memref<80x128xf32, #tpu.memory_space<vmem>>) offsets(%dma_start3A_153 : memref<80xi32, #tpu.memory_space<vmem>>) semaphore(%arg18 : memref<!tpu.dma_semaphore, #tpu.memory_space<semaphore_mem>>)
          } else {
          }
          "tpu.region"() ({
            %run_scoped3A_149 = tpu.sem_alloc : memref<!tpu.dma_semaphore, #tpu.memory_space<semaphore_mem>>
            %dma_start3A_150 = arith.constant 0 : i32
            %dma_start3A_151 = tpu.memref_slice %arg11[%add3A_104, %dma_start3A_150] : memref<25x80xi32, #tpu.memory_space<vmem>> -> memref<1x80xi32, #tpu.memory_space<vmem>>
            %dma_start3A_152 = tpu.memref_squeeze %dma_start3A_151 : memref<1x80xi32, #tpu.memory_space<vmem>> -> memref<80xi32, #tpu.memory_space<vmem>>
            %dma_start3A_153 = arith.constant 0 : i32
            %dma_start3A_154 = arith.constant 0 : i32
            %dma_start3A_155 = tpu.memref_slice %arg8[%dma_start3A_153, %dma_start3A_154] : memref<10240x128xf32, #tpu.memory_space<vmem_shared>> -> memref<10240x128xf32, #tpu.memory_space<vmem_shared>>
            tpu.enqueue_indirect_dma source(%arg12 : memref<80x128xf32, #tpu.memory_space<vmem>>) target(%dma_start3A_155 : memref<10240x128xf32, #tpu.memory_space<vmem_shared>>) offsets(%dma_start3A_152 : memref<80xi32, #tpu.memory_space<vmem>>) semaphore(%run_scoped3A_149 : memref<!tpu.dma_semaphore, #tpu.memory_space<semaphore_mem>>) {add = true}
            %dma_wait3A_156 = arith.constant 0 : i32
            %dma_wait3A_157 = tpu.memref_slice %arg11[%add3A_104, %dma_wait3A_156] : memref<25x80xi32, #tpu.memory_space<vmem>> -> memref<1x80xi32, #tpu.memory_space<vmem>>
            %dma_wait3A_158 = tpu.memref_squeeze %dma_wait3A_157 : memref<1x80xi32, #tpu.memory_space<vmem>> -> memref<80xi32, #tpu.memory_space<vmem>>
            %dma_wait3A_159 = arith.constant 0 : i32
            %dma_wait3A_160 = arith.constant 0 : i32
            %dma_wait3A_161 = tpu.memref_slice %arg8[%dma_wait3A_159, %dma_wait3A_160] : memref<10240x128xf32, #tpu.memory_space<vmem_shared>> -> memref<10240x128xf32, #tpu.memory_space<vmem_shared>>
            tpu.wait_indirect_dma semaphore(%run_scoped3A_149 : memref<!tpu.dma_semaphore, #tpu.memory_space<semaphore_mem>>) src(%arg12 : memref<80x128xf32, #tpu.memory_space<vmem>>) dst(%dma_wait3A_161 : memref<10240x128xf32, #tpu.memory_space<vmem_shared>>)
            tpu.yield
          }) : () -> ()
          %add3A_118 = arith.constant 1 : i32
          %add3A_119 = arith.addi %mul3A_102, %add3A_118 : i32
          %dma_wait3A_120 = arith.constant 0 : i32
          %dma_wait3A_121 = arith.constant 0 : i32
          %dma_wait3A_122 = tpu.memref_slice %arg3[%dma_wait3A_120, %dma_wait3A_121] : memref<10000x128xf32, #tpu.memory_space<hbm>> -> memref<80x128xf32, #tpu.memory_space<hbm>>
          %dma_wait3A_123 = arith.constant 0 : i32
          %dma_wait3A_124 = arith.constant 0 : i32
          %dma_wait3A_125 = tpu.memref_slice %arg3[%dma_wait3A_123, %dma_wait3A_124] : memref<10000x128xf32, #tpu.memory_space<hbm>> -> memref<80x128xf32, #tpu.memory_space<hbm>>
          tpu.wait_dma2 semaphore(%arg17 : memref<!tpu.dma_semaphore, #tpu.memory_space<semaphore_mem>>) src(%dma_wait3A_125 : memref<80x128xf32, #tpu.memory_space<hbm>>) dst(%arg13 : memref<80x128xf32, #tpu.memory_space<vmem>>)
          %add3A_126 = arith.constant 2 : i32
          %add3A_127 = arith.addi %add3A_119, %add3A_126 : i32
          %lt3A_128 = arith.constant 25 : i32
          %lt3A_129 = arith.cmpi slt, %add3A_127, %lt3A_128 : i32
          %convert_element_type3A_130 = arith.extui %lt3A_129 : i1 to i32
          %cond3A_131 = arith.constant 0 : i32
          %cond3A_132 = arith.cmpi ne, %convert_element_type3A_130, %cond3A_131 : i32
          scf.if %cond3A_132 {
            %add3A_149 = arith.constant 2 : i32
            %add3A_150 = arith.addi %add3A_119, %add3A_149 : i32
            %dma_start3A_151 = arith.constant 0 : i32
            %dma_start3A_152 = tpu.memref_slice %arg10[%add3A_150, %dma_start3A_151] : memref<25x80xi32, #tpu.memory_space<vmem>> -> memref<1x80xi32, #tpu.memory_space<vmem>>
            %dma_start3A_153 = tpu.memref_squeeze %dma_start3A_152 : memref<1x80xi32, #tpu.memory_space<vmem>> -> memref<80xi32, #tpu.memory_space<vmem>>
            %dma_start3A_154 = arith.constant 0 : i32
            %dma_start3A_155 = arith.constant 0 : i32
            %dma_start3A_156 = tpu.memref_slice %arg3[%dma_start3A_154, %dma_start3A_155] : memref<10000x128xf32, #tpu.memory_space<hbm>> -> memref<10000x128xf32, #tpu.memory_space<hbm>>
            tpu.enqueue_indirect_dma source(%dma_start3A_156 : memref<10000x128xf32, #tpu.memory_space<hbm>>) target(%arg12 : memref<80x128xf32, #tpu.memory_space<vmem>>) offsets(%dma_start3A_153 : memref<80xi32, #tpu.memory_space<vmem>>) semaphore(%arg16 : memref<!tpu.dma_semaphore, #tpu.memory_space<semaphore_mem>>)
          } else {
          }
          "tpu.region"() ({
            %run_scoped3A_149 = tpu.sem_alloc : memref<!tpu.dma_semaphore, #tpu.memory_space<semaphore_mem>>
            %dma_start3A_150 = arith.constant 0 : i32
            %dma_start3A_151 = tpu.memref_slice %arg11[%add3A_119, %dma_start3A_150] : memref<25x80xi32, #tpu.memory_space<vmem>> -> memref<1x80xi32, #tpu.memory_space<vmem>>
            %dma_start3A_152 = tpu.memref_squeeze %dma_start3A_151 : memref<1x80xi32, #tpu.memory_space<vmem>> -> memref<80xi32, #tpu.memory_space<vmem>>
            %dma_start3A_153 = arith.constant 0 : i32
            %dma_start3A_154 = arith.constant 0 : i32
            %dma_start3A_155 = tpu.memref_slice %arg8[%dma_start3A_153, %dma_start3A_154] : memref<10240x128xf32, #tpu.memory_space<vmem_shared>> -> memref<10240x128xf32, #tpu.memory_space<vmem_shared>>
            tpu.enqueue_indirect_dma source(%arg13 : memref<80x128xf32, #tpu.memory_space<vmem>>) target(%dma_start3A_155 : memref<10240x128xf32, #tpu.memory_space<vmem_shared>>) offsets(%dma_start3A_152 : memref<80xi32, #tpu.memory_space<vmem>>) semaphore(%run_scoped3A_149 : memref<!tpu.dma_semaphore, #tpu.memory_space<semaphore_mem>>) {add = true}
            %dma_wait3A_156 = arith.constant 0 : i32
            %dma_wait3A_157 = tpu.memref_slice %arg11[%add3A_119, %dma_wait3A_156] : memref<25x80xi32, #tpu.memory_space<vmem>> -> memref<1x80xi32, #tpu.memory_space<vmem>>
            %dma_wait3A_158 = tpu.memref_squeeze %dma_wait3A_157 : memref<1x80xi32, #tpu.memory_space<vmem>> -> memref<80xi32, #tpu.memory_space<vmem>>
            %dma_wait3A_159 = arith.constant 0 : i32
            %dma_wait3A_160 = arith.constant 0 : i32
            %dma_wait3A_161 = tpu.memref_slice %arg8[%dma_wait3A_159, %dma_wait3A_160] : memref<10240x128xf32, #tpu.memory_space<vmem_shared>> -> memref<10240x128xf32, #tpu.memory_space<vmem_shared>>
            tpu.wait_indirect_dma semaphore(%run_scoped3A_149 : memref<!tpu.dma_semaphore, #tpu.memory_space<semaphore_mem>>) src(%arg13 : memref<80x128xf32, #tpu.memory_space<vmem>>) dst(%dma_wait3A_161 : memref<10240x128xf32, #tpu.memory_space<vmem_shared>>)
            tpu.yield
          }) : () -> ()
          %add3A_133 = arith.constant 2 : i32
          %add3A_134 = arith.addi %mul3A_102, %add3A_133 : i32
          %dma_wait3A_135 = arith.constant 0 : i32
          %dma_wait3A_136 = arith.constant 0 : i32
          %dma_wait3A_137 = tpu.memref_slice %arg3[%dma_wait3A_135, %dma_wait3A_136] : memref<10000x128xf32, #tpu.memory_space<hbm>> -> memref<80x128xf32, #tpu.memory_space<hbm>>
          %dma_wait3A_138 = arith.constant 0 : i32
          %dma_wait3A_139 = arith.constant 0 : i32
          %dma_wait3A_140 = tpu.memref_slice %arg3[%dma_wait3A_138, %dma_wait3A_139] : memref<10000x128xf32, #tpu.memory_space<hbm>> -> memref<80x128xf32, #tpu.memory_space<hbm>>
          tpu.wait_dma2 semaphore(%arg18 : memref<!tpu.dma_semaphore, #tpu.memory_space<semaphore_mem>>) src(%dma_wait3A_140 : memref<80x128xf32, #tpu.memory_space<hbm>>) dst(%arg14 : memref<80x128xf32, #tpu.memory_space<vmem>>)
          %add3A_141 = arith.constant 2 : i32
          %add3A_142 = arith.addi %add3A_134, %add3A_141 : i32
          %lt3A_143 = arith.constant 25 : i32
          %lt3A_144 = arith.cmpi slt, %add3A_142, %lt3A_143 : i32
          %convert_element_type3A_145 = arith.extui %lt3A_144 : i1 to i32
          %cond3A_146 = arith.constant 0 : i32
          %cond3A_147 = arith.cmpi ne, %convert_element_type3A_145, %cond3A_146 : i32
          scf.if %cond3A_147 {
            %add3A_149 = arith.constant 2 : i32
            %add3A_150 = arith.addi %add3A_134, %add3A_149 : i32
            %dma_start3A_151 = arith.constant 0 : i32
            %dma_start3A_152 = tpu.memref_slice %arg10[%add3A_150, %dma_start3A_151] : memref<25x80xi32, #tpu.memory_space<vmem>> -> memref<1x80xi32, #tpu.memory_space<vmem>>
            %dma_start3A_153 = tpu.memref_squeeze %dma_start3A_152 : memref<1x80xi32, #tpu.memory_space<vmem>> -> memref<80xi32, #tpu.memory_space<vmem>>
            %dma_start3A_154 = arith.constant 0 : i32
            %dma_start3A_155 = arith.constant 0 : i32
            %dma_start3A_156 = tpu.memref_slice %arg3[%dma_start3A_154, %dma_start3A_155] : memref<10000x128xf32, #tpu.memory_space<hbm>> -> memref<10000x128xf32, #tpu.memory_space<hbm>>
            tpu.enqueue_indirect_dma source(%dma_start3A_156 : memref<10000x128xf32, #tpu.memory_space<hbm>>) target(%arg13 : memref<80x128xf32, #tpu.memory_space<vmem>>) offsets(%dma_start3A_153 : memref<80xi32, #tpu.memory_space<vmem>>) semaphore(%arg17 : memref<!tpu.dma_semaphore, #tpu.memory_space<semaphore_mem>>)
          } else {
          }
          "tpu.region"() ({
            %run_scoped3A_149 = tpu.sem_alloc : memref<!tpu.dma_semaphore, #tpu.memory_space<semaphore_mem>>
            %dma_start3A_150 = arith.constant 0 : i32
            %dma_start3A_151 = tpu.memref_slice %arg11[%add3A_134, %dma_start3A_150] : memref<25x80xi32, #tpu.memory_space<vmem>> -> memref<1x80xi32, #tpu.memory_space<vmem>>
            %dma_start3A_152 = tpu.memref_squeeze %dma_start3A_151 : memref<1x80xi32, #tpu.memory_space<vmem>> -> memref<80xi32, #tpu.memory_space<vmem>>
            %dma_start3A_153 = arith.constant 0 : i32
            %dma_start3A_154 = arith.constant 0 : i32
            %dma_start3A_155 = tpu.memref_slice %arg8[%dma_start3A_153, %dma_start3A_154] : memref<10240x128xf32, #tpu.memory_space<vmem_shared>> -> memref<10240x128xf32, #tpu.memory_space<vmem_shared>>
            tpu.enqueue_indirect_dma source(%arg14 : memref<80x128xf32, #tpu.memory_space<vmem>>) target(%dma_start3A_155 : memref<10240x128xf32, #tpu.memory_space<vmem_shared>>) offsets(%dma_start3A_152 : memref<80xi32, #tpu.memory_space<vmem>>) semaphore(%run_scoped3A_149 : memref<!tpu.dma_semaphore, #tpu.memory_space<semaphore_mem>>) {add = true}
            %dma_wait3A_156 = arith.constant 0 : i32
            %dma_wait3A_157 = tpu.memref_slice %arg11[%add3A_134, %dma_wait3A_156] : memref<25x80xi32, #tpu.memory_space<vmem>> -> memref<1x80xi32, #tpu.memory_space<vmem>>
            %dma_wait3A_158 = tpu.memref_squeeze %dma_wait3A_157 : memref<1x80xi32, #tpu.memory_space<vmem>> -> memref<80xi32, #tpu.memory_space<vmem>>
            %dma_wait3A_159 = arith.constant 0 : i32
            %dma_wait3A_160 = arith.constant 0 : i32
            %dma_wait3A_161 = tpu.memref_slice %arg8[%dma_wait3A_159, %dma_wait3A_160] : memref<10240x128xf32, #tpu.memory_space<vmem_shared>> -> memref<10240x128xf32, #tpu.memory_space<vmem_shared>>
            tpu.wait_indirect_dma semaphore(%run_scoped3A_149 : memref<!tpu.dma_semaphore, #tpu.memory_space<semaphore_mem>>) src(%arg14 : memref<80x128xf32, #tpu.memory_space<vmem>>) dst(%dma_wait3A_161 : memref<10240x128xf32, #tpu.memory_space<vmem_shared>>)
            tpu.yield
          }) : () -> ()
          %scan3A_148 = arith.constant 0 : i32
          scf.yield %scan3A_148 : i32
        }
        %scan3A_79 = arith.constant 8 : i32
        %dma_wait3A = arith.constant 0 : i32
        %dma_wait3A_80 = arith.constant 0 : i32
        %dma_wait3A_81 = tpu.memref_slice %arg3[%dma_wait3A, %dma_wait3A_80] : memref<10000x128xf32, #tpu.memory_space<hbm>> -> memref<80x128xf32, #tpu.memory_space<hbm>>
        %dma_wait3A_82 = arith.constant 0 : i32
        %dma_wait3A_83 = arith.constant 0 : i32
        %dma_wait3A_84 = tpu.memref_slice %arg3[%dma_wait3A_82, %dma_wait3A_83] : memref<10000x128xf32, #tpu.memory_space<hbm>> -> memref<80x128xf32, #tpu.memory_space<hbm>>
        tpu.wait_dma2 semaphore(%arg16 : memref<!tpu.dma_semaphore, #tpu.memory_space<semaphore_mem>>) src(%dma_wait3A_84 : memref<80x128xf32, #tpu.memory_space<hbm>>) dst(%arg12 : memref<80x128xf32, #tpu.memory_space<vmem>>)
        %add3A_85 = arith.constant 1 : i32
        %add3A_86 = arith.addi %scan3A_49, %add3A_85 : i32
        %lt3A = arith.constant 5 : i32
        %lt3A_87 = arith.cmpi slt, %add3A_86, %lt3A : i32
        %convert_element_type3A_88 = arith.extui %lt3A_87 : i1 to i32
        %cond3A_89 = arith.constant 0 : i32
        %cond3A_90 = arith.cmpi ne, %convert_element_type3A_88, %cond3A_89 : i32
        scf.if %cond3A_90 {
          %add3A_99 = arith.constant 1 : i32
          %add3A_100 = arith.addi %scan3A_49, %add3A_99 : i32
          %mul3A_101 = arith.constant 25 : i32
          %mul3A_102 = arith.muli %add3A_100, %mul3A_101 : i32
          %dma_start3A_103 = arith.constant 0 : i32
          %dma_start3A_104 = arith.constant 0 : i32
          %dma_start3A_105 = tpu.memref_slice %arg4[%dma_start3A_103, %arg1, %mul3A_102, %dma_start3A_104] : memref<2x16x125x80xi32, #tpu.memory_space<hbm>> -> memref<1x1x25x80xi32, #tpu.memory_space<hbm>>
          %dma_start3A_106 = tpu.memref_squeeze %dma_start3A_105 : memref<1x1x25x80xi32, #tpu.memory_space<hbm>> -> memref<25x80xi32, #tpu.memory_space<hbm>>
          %dma_start3A_107 = arith.constant 0 : i32
          %dma_start3A_108 = tpu.memref_slice %arg4[%dma_start3A_103, %arg1, %mul3A_102, %dma_start3A_107] : memref<2x16x125x80xi32, #tpu.memory_space<hbm>> -> memref<1x1x25x80xi32, #tpu.memory_space<hbm>>
          %dma_start3A_109 = tpu.memref_squeeze %dma_start3A_108 : memref<1x1x25x80xi32, #tpu.memory_space<hbm>> -> memref<25x80xi32, #tpu.memory_space<hbm>>
          tpu.enqueue_dma source(%dma_start3A_109 : memref<25x80xi32, #tpu.memory_space<hbm>>) target(%arg10 : memref<25x80xi32, #tpu.memory_space<vmem>>) target_semaphore(%arg20 : memref<!tpu.dma_semaphore, #tpu.memory_space<semaphore_mem>>)
        } else {
        }
        %run_scoped3A = arith.constant 24 : i32
        "tpu.region"() ({
          %run_scoped3A_99 = tpu.sem_alloc : memref<!tpu.dma_semaphore, #tpu.memory_space<semaphore_mem>>
          %dma_start3A_100 = arith.constant 0 : i32
          %dma_start3A_101 = tpu.memref_slice %arg11[%run_scoped3A, %dma_start3A_100] : memref<25x80xi32, #tpu.memory_space<vmem>> -> memref<1x80xi32, #tpu.memory_space<vmem>>
          %dma_start3A_102 = tpu.memref_squeeze %dma_start3A_101 : memref<1x80xi32, #tpu.memory_space<vmem>> -> memref<80xi32, #tpu.memory_space<vmem>>
          %dma_start3A_103 = arith.constant 0 : i32
          %dma_start3A_104 = arith.constant 0 : i32
          %dma_start3A_105 = tpu.memref_slice %arg8[%dma_start3A_103, %dma_start3A_104] : memref<10240x128xf32, #tpu.memory_space<vmem_shared>> -> memref<10240x128xf32, #tpu.memory_space<vmem_shared>>
          tpu.enqueue_indirect_dma source(%arg12 : memref<80x128xf32, #tpu.memory_space<vmem>>) target(%dma_start3A_105 : memref<10240x128xf32, #tpu.memory_space<vmem_shared>>) offsets(%dma_start3A_102 : memref<80xi32, #tpu.memory_space<vmem>>) semaphore(%run_scoped3A_99 : memref<!tpu.dma_semaphore, #tpu.memory_space<semaphore_mem>>) {add = true}
          %dma_wait3A_106 = arith.constant 0 : i32
          %dma_wait3A_107 = tpu.memref_slice %arg11[%run_scoped3A, %dma_wait3A_106] : memref<25x80xi32, #tpu.memory_space<vmem>> -> memref<1x80xi32, #tpu.memory_space<vmem>>
          %dma_wait3A_108 = tpu.memref_squeeze %dma_wait3A_107 : memref<1x80xi32, #tpu.memory_space<vmem>> -> memref<80xi32, #tpu.memory_space<vmem>>
          %dma_wait3A_109 = arith.constant 0 : i32
          %dma_wait3A_110 = arith.constant 0 : i32
          %dma_wait3A_111 = tpu.memref_slice %arg8[%dma_wait3A_109, %dma_wait3A_110] : memref<10240x128xf32, #tpu.memory_space<vmem_shared>> -> memref<10240x128xf32, #tpu.memory_space<vmem_shared>>
          tpu.wait_indirect_dma semaphore(%run_scoped3A_99 : memref<!tpu.dma_semaphore, #tpu.memory_space<semaphore_mem>>) src(%arg12 : memref<80x128xf32, #tpu.memory_space<vmem>>) dst(%dma_wait3A_111 : memref<10240x128xf32, #tpu.memory_space<vmem_shared>>)
          tpu.yield
        }) : () -> ()
        %add3A_91 = arith.constant 1 : i32
        %add3A_92 = arith.addi %scan3A_49, %add3A_91 : i32
        %lt3A_93 = arith.constant 5 : i32
        %lt3A_94 = arith.cmpi slt, %add3A_92, %lt3A_93 : i32
        %convert_element_type3A_95 = arith.extui %lt3A_94 : i1 to i32
        %cond3A_96 = arith.constant 0 : i32
        %cond3A_97 = arith.cmpi ne, %convert_element_type3A_95, %cond3A_96 : i32
        scf.if %cond3A_97 {
          %add3A_99 = arith.constant 1 : i32
          %add3A_100 = arith.addi %scan3A_49, %add3A_99 : i32
          %mul3A_101 = arith.constant 25 : i32
          %mul3A_102 = arith.muli %add3A_100, %mul3A_101 : i32
          %dma_start3A_103 = arith.constant 1 : i32
          %dma_start3A_104 = arith.constant 0 : i32
          %dma_start3A_105 = tpu.memref_slice %arg4[%dma_start3A_103, %arg1, %mul3A_102, %dma_start3A_104] : memref<2x16x125x80xi32, #tpu.memory_space<hbm>> -> memref<1x1x25x80xi32, #tpu.memory_space<hbm>>
          %dma_start3A_106 = tpu.memref_squeeze %dma_start3A_105 : memref<1x1x25x80xi32, #tpu.memory_space<hbm>> -> memref<25x80xi32, #tpu.memory_space<hbm>>
          %dma_start3A_107 = arith.constant 0 : i32
          %dma_start3A_108 = tpu.memref_slice %arg4[%dma_start3A_103, %arg1, %mul3A_102, %dma_start3A_107] : memref<2x16x125x80xi32, #tpu.memory_space<hbm>> -> memref<1x1x25x80xi32, #tpu.memory_space<hbm>>
          %dma_start3A_109 = tpu.memref_squeeze %dma_start3A_108 : memref<1x1x25x80xi32, #tpu.memory_space<hbm>> -> memref<25x80xi32, #tpu.memory_space<hbm>>
          tpu.enqueue_dma source(%dma_start3A_109 : memref<25x80xi32, #tpu.memory_space<hbm>>) target(%arg11 : memref<25x80xi32, #tpu.memory_space<vmem>>) target_semaphore(%arg20 : memref<!tpu.dma_semaphore, #tpu.memory_space<semaphore_mem>>)
        } else {
        }
        %scan3A_98 = arith.constant 0 : i32
        scf.yield %scan3A_98 : i32
      }
      %scan3A_47 = arith.constant 5 : i32
      %barrier3A_48 = arith.constant 0 : index
      tpu.barrier barrier_id(%barrier3A_48)
      "tpu.region"() ({
        %run_scoped3A = tpu.sem_alloc : memref<!tpu.dma_semaphore, #tpu.memory_space<semaphore_mem>>
        %dma_start3A = arith.constant 0 : i32
        %dma_start3A_49 = tpu.memref_slice %arg6[%mul3A_0, %dma_start3A] : memref<10240x128xf32, #tpu.memory_space<hbm>> -> memref<640x128xf32, #tpu.memory_space<hbm>>
        %dma_start3A_50 = arith.constant 0 : i32
        %dma_start3A_51 = tpu.memref_slice %arg8[%mul3A_0, %dma_start3A_50] : memref<10240x128xf32, #tpu.memory_space<vmem_shared>> -> memref<640x128xf32, #tpu.memory_space<vmem_shared>>
        tpu.enqueue_dma source(%dma_start3A_51 : memref<640x128xf32, #tpu.memory_space<vmem_shared>>) target(%dma_start3A_49 : memref<640x128xf32, #tpu.memory_space<hbm>>) target_semaphore(%run_scoped3A : memref<!tpu.dma_semaphore, #tpu.memory_space<semaphore_mem>>)
        %dma_wait3A = arith.constant 0 : i32
        %dma_wait3A_52 = tpu.memref_slice %arg6[%mul3A_0, %dma_wait3A] : memref<10240x128xf32, #tpu.memory_space<hbm>> -> memref<640x128xf32, #tpu.memory_space<hbm>>
        %dma_wait3A_53 = arith.constant 0 : i32
        %dma_wait3A_54 = tpu.memref_slice %arg8[%mul3A_0, %dma_wait3A_53] : memref<10240x128xf32, #tpu.memory_space<vmem_shared>> -> memref<640x128xf32, #tpu.memory_space<vmem_shared>>
        tpu.wait_dma2 semaphore(%run_scoped3A : memref<!tpu.dma_semaphore, #tpu.memory_space<semaphore_mem>>) src(%dma_wait3A_54 : memref<640x128xf32, #tpu.memory_space<vmem_shared>>) dst(%dma_wait3A_52 : memref<640x128xf32, #tpu.memory_space<hbm>>)
        tpu.yield
      }) : () -> ()
    } else {
    }
    return
  }
}

module attributes {stable_mosaic.version = 14 : i64} {
  func.func @_stage1_body(%arg0: i32, %arg1: memref<2000x256xf32, #tpu.memory_space<vmem>>, %arg2: memref<256x256xf32, #tpu.memory_space<vmem>>, %arg3: memref<1x256xf32, #tpu.memory_space<vmem>>, %arg4: memref<1x1xf32, #tpu.memory_space<smem>>, %arg5: memref<2000x128xf32, #tpu.memory_space<vmem>>, %arg6: memref<2000x128xf32, #tpu.memory_space<vmem>>) attributes {dimension_semantics = [#tpu.dimension_semantics<arbitrary>], iteration_bounds = array<i64: 5>, scalar_prefetch = 0 : i64, scratch_operands = 0 : i64, tpu.core_type = #tpu.core_type<tc>, window_params = [{transform_indices = @transform_0, window_bounds = array<i64: 2000, 256>}, {pipeline_mode = #tpu.pipeline_mode<synchronous>, transform_indices = @transform_1, window_bounds = array<i64: 256, 256>}, {pipeline_mode = #tpu.pipeline_mode<synchronous>, transform_indices = @transform_2, window_bounds = array<i64: 1, 256>}, {transform_indices = @transform_3, window_bounds = array<i64: 1, 1>}, {transform_indices = @transform_4, window_bounds = array<i64: 2000, 128>}, {transform_indices = @transform_5, window_bounds = array<i64: 2000, 128>}]} {
    %get3A = arith.constant 0 : index
    %get3A_0 = arith.constant 0 : index
    %get3A_1 = vector.load %arg1[%get3A, %get3A_0] : memref<2000x256xf32, #tpu.memory_space<vmem>>, vector<2000x256xf32>
    %get3A_2 = arith.constant 0 : index
    %get3A_3 = arith.constant 0 : index
    %get3A_4 = memref.load %arg4[%get3A_2, %get3A_3] : memref<1x1xf32, #tpu.memory_space<smem>>
    %sqrt3A = math.sqrt %get3A_4 : f32
    %mul3A = arith.mulf %get3A_1, %get3A_1 : vector<2000x256xf32>
    %reduce_sum3A = arith.constant dense<0.000000e+00> : vector<2000xf32>
    %reduce_sum3A_5 = vector.multi_reduction <add>, %mul3A, %reduce_sum3A [1] : vector<2000x256xf32> to vector<2000xf32>
    %broadcast_in_dim3A = vector.shape_cast %reduce_sum3A_5 : vector<2000xf32> to vector<2000x1xf32>
    %sqrt3A_6 = math.sqrt %broadcast_in_dim3A : vector<2000x1xf32>
    %mul3A_7 = vector.broadcast %sqrt3A : f32 to vector<2000x1xf32>
    %mul3A_8 = arith.mulf %mul3A_7, %sqrt3A_6 : vector<2000x1xf32>
    %add3A = arith.constant 1.000000e+00 : f32
    %add3A_9 = vector.broadcast %add3A : f32 to vector<2000x1xf32>
    %add3A_10 = arith.addf %add3A_9, %mul3A_8 : vector<2000x1xf32>
    %sub3A = arith.constant 1.000000e+00 : f32
    %sub3A_11 = vector.broadcast %sub3A : f32 to vector<2000x1xf32>
    %sub3A_12 = arith.subf %sub3A_11, %mul3A_8 : vector<2000x1xf32>
    %div3A = arith.divf %add3A_10, %sub3A_12 : vector<2000x1xf32>
    %log3A = math.log %div3A : vector<2000x1xf32>
    %mul3A_13 = arith.constant 5.000000e-01 : f32
    %mul3A_14 = vector.broadcast %mul3A_13 : f32 to vector<2000x1xf32>
    %mul3A_15 = arith.mulf %mul3A_14, %log3A : vector<2000x1xf32>
    %div3A_16 = arith.constant 2.000000e+00 : f32
    %div3A_17 = arith.divf %div3A_16, %sqrt3A : f32
    %mul3A_18 = vector.broadcast %div3A_17 : f32 to vector<2000x1xf32>
    %mul3A_19 = arith.mulf %mul3A_18, %mul3A_15 : vector<2000x1xf32>
    %div3A_20 = arith.divf %mul3A_19, %sqrt3A_6 : vector<2000x1xf32>
    %mul3A_21 = vector.broadcast %div3A_20 : vector<2000x1xf32> to vector<2000x256xf32>
    %mul3A_22 = arith.mulf %get3A_1, %mul3A_21 : vector<2000x256xf32>
    %get3A_23 = arith.constant 0 : index
    %get3A_24 = arith.constant 0 : index
    %get3A_25 = vector.load %arg2[%get3A_23, %get3A_24] : memref<256x256xf32, #tpu.memory_space<vmem>>, vector<256x256xf32>
    %dot_general3A = arith.constant dense<0.000000e+00> : vector<2000x256xf32>
    %dot_general3A_26 = tpu.matmul %mul3A_22, %get3A_25, %dot_general3A {dimension_numbers = #tpu.dot_dimension_numbers<[1], [1], [0], [0], [0, 0, 1, 0], [], []>, transpose_lhs_hint = false} : vector<2000x256xf32>, vector<256x256xf32>, vector<2000x256xf32> -> vector<2000x256xf32>
    %get3A_27 = arith.constant 0 : index
    %get3A_28 = arith.constant 0 : index
    %get3A_29 = vector.load %arg3[%get3A_27, %get3A_28] : memref<1x256xf32, #tpu.memory_space<vmem>>, vector<1x256xf32>
    %add3A_30 = vector.broadcast %get3A_29 : vector<1x256xf32> to vector<2000x256xf32>
    %add3A_31 = arith.addf %dot_general3A_26, %add3A_30 : vector<2000x256xf32>
    %slice3A = vector.extract_strided_slice %add3A_31 {offsets = [0, 0], sizes = [2000, 128], strides = [1, 1]} : vector<2000x256xf32> to vector<2000x128xf32>
    %swap3A = arith.constant 0 : index
    %swap3A_32 = arith.constant 0 : index
    %swap3A_33 = vector.load %arg5[%swap3A, %swap3A_32] : memref<2000x128xf32, #tpu.memory_space<vmem>>, vector<2000x128xf32>
    tpu.vector_store %arg5[%swap3A, %swap3A_32], %slice3A {strides = array<i32>} : memref<2000x128xf32, #tpu.memory_space<vmem>>, vector<2000x128xf32>,
    %slice3A_34 = vector.extract_strided_slice %add3A_31 {offsets = [0, 128], sizes = [2000, 128], strides = [1, 1]} : vector<2000x256xf32> to vector<2000x128xf32>
    %swap3A_35 = arith.constant 0 : index
    %swap3A_36 = arith.constant 0 : index
    %swap3A_37 = vector.load %arg6[%swap3A_35, %swap3A_36] : memref<2000x128xf32, #tpu.memory_space<vmem>>, vector<2000x128xf32>
    tpu.vector_store %arg6[%swap3A_35, %swap3A_36], %slice3A_34 {strides = array<i32>} : memref<2000x128xf32, #tpu.memory_space<vmem>>, vector<2000x128xf32>,
    return
  }
  func.func @transform_0(%arg0: i32) -> (i32, i32) {
    %c0_i32 = arith.constant 0 : i32
    %c0_i32_0 = arith.constant 0 : i32
    return %arg0, %c0_i32 : i32, i32
  }
  func.func @transform_1(%arg0: i32) -> (i32, i32) {
    %c0_i32 = arith.constant 0 : i32
    %c0_i32_0 = arith.constant 0 : i32
    %c0_i32_1 = arith.constant 0 : i32
    return %c0_i32, %c0_i32_0 : i32, i32
  }
  func.func @transform_2(%arg0: i32) -> (i32, i32) {
    %c0_i32 = arith.constant 0 : i32
    %c0_i32_0 = arith.constant 0 : i32
    %c0_i32_1 = arith.constant 0 : i32
    return %c0_i32, %c0_i32_0 : i32, i32
  }
  func.func @transform_3(%arg0: i32) -> (i32, i32) {
    %c0_i32 = arith.constant 0 : i32
    %c0_i32_0 = arith.constant 0 : i32
    %c0_i32_1 = arith.constant 0 : i32
    return %c0_i32, %c0_i32_0 : i32, i32
  }
  func.func @transform_4(%arg0: i32) -> (i32, i32) {
    %c0_i32 = arith.constant 0 : i32
    %c0_i32_0 = arith.constant 0 : i32
    return %arg0, %c0_i32 : i32, i32
  }
  func.func @transform_5(%arg0: i32) -> (i32, i32) {
    %c0_i32 = arith.constant 0 : i32
    %c0_i32_0 = arith.constant 0 : i32
    return %arg0, %c0_i32 : i32, i32
  }
}

module attributes {stable_mosaic.version = 14 : i64} {
  func.func @_stage3_body(%arg0: i32, %arg1: memref<2000x128xf32, #tpu.memory_space<vmem>>, %arg2: memref<2000x128xf32, #tpu.memory_space<vmem>>, %arg3: memref<2000x16xf32, #tpu.memory_space<vmem>>, %arg4: memref<1x1xf32, #tpu.memory_space<smem>>, %arg5: memref<2000x256xf32, #tpu.memory_space<vmem>>) attributes {dimension_semantics = [#tpu.dimension_semantics<arbitrary>], iteration_bounds = array<i64: 5>, scalar_prefetch = 0 : i64, scratch_operands = 0 : i64, tpu.core_type = #tpu.core_type<tc>, window_params = [{transform_indices = @transform_0, window_bounds = array<i64: 2000, 128>}, {transform_indices = @transform_1, window_bounds = array<i64: 2000, 128>}, {transform_indices = @transform_2, window_bounds = array<i64: 2000, 16>}, {transform_indices = @transform_3, window_bounds = array<i64: 1, 1>}, {transform_indices = @transform_4, window_bounds = array<i64: 2000, 256>}]} {
    %get3A = arith.constant 0 : index
    %get3A_0 = arith.constant 0 : index
    %get3A_1 = vector.load %arg1[%get3A, %get3A_0] : memref<2000x128xf32, #tpu.memory_space<vmem>>, vector<2000x128xf32>
    %get3A_2 = arith.constant 0 : index
    %get3A_3 = arith.constant 0 : index
    %get3A_4 = vector.load %arg2[%get3A_2, %get3A_3] : memref<2000x128xf32, #tpu.memory_space<vmem>>, vector<2000x128xf32>
    %concatenate3A = tpu.concatenate %get3A_1, %get3A_4 in 1 : vector<2000x128xf32>, vector<2000x128xf32> -> vector<2000x256xf32>
    %get3A_5 = arith.constant 0 : index
    %get3A_6 = arith.constant 0 : index
    %get3A_7 = vector.load %arg3[%get3A_5, %get3A_6] : memref<2000x16xf32, #tpu.memory_space<vmem>>, vector<2000x1xf32>
    %max3A = arith.constant 1.000000e+00 : f32
    %max3A_8 = vector.broadcast %max3A : f32 to vector<2000x1xf32>
    %max3A_9 = arith.maximumf %get3A_7, %max3A_8 : vector<2000x1xf32>
    %div3A = vector.broadcast %max3A_9 : vector<2000x1xf32> to vector<2000x256xf32>
    %div3A_10 = arith.divf %concatenate3A, %div3A : vector<2000x256xf32>
    %get3A_11 = arith.constant 0 : index
    %get3A_12 = arith.constant 0 : index
    %get3A_13 = memref.load %arg4[%get3A_11, %get3A_12] : memref<1x1xf32, #tpu.memory_space<smem>>
    %sqrt3A = math.sqrt %get3A_13 : f32
    %mul3A = arith.mulf %div3A_10, %div3A_10 : vector<2000x256xf32>
    %reduce_sum3A = arith.constant dense<0.000000e+00> : vector<2000xf32>
    %reduce_sum3A_14 = vector.multi_reduction <add>, %mul3A, %reduce_sum3A [1] : vector<2000x256xf32> to vector<2000xf32>
    %broadcast_in_dim3A = vector.shape_cast %reduce_sum3A_14 : vector<2000xf32> to vector<2000x1xf32>
    %sqrt3A_15 = math.sqrt %broadcast_in_dim3A : vector<2000x1xf32>
    %mul3A_16 = vector.broadcast %sqrt3A : f32 to vector<2000x1xf32>
    %mul3A_17 = arith.mulf %mul3A_16, %sqrt3A_15 : vector<2000x1xf32>
    %mul3A_18 = arith.constant 5.000000e-01 : f32
    %mul3A_19 = vector.broadcast %mul3A_18 : f32 to vector<2000x1xf32>
    %mul3A_20 = arith.mulf %mul3A_17, %mul3A_19 : vector<2000x1xf32>
    %tanh3A = math.tanh %mul3A_20 : vector<2000x1xf32>
    %mul3A_21 = vector.broadcast %tanh3A : vector<2000x1xf32> to vector<2000x256xf32>
    %mul3A_22 = arith.mulf %mul3A_21, %div3A_10 : vector<2000x256xf32>
    %mul3A_23 = vector.broadcast %sqrt3A : f32 to vector<2000x1xf32>
    %mul3A_24 = arith.mulf %mul3A_23, %sqrt3A_15 : vector<2000x1xf32>
    %div3A_25 = vector.broadcast %mul3A_24 : vector<2000x1xf32> to vector<2000x256xf32>
    %div3A_26 = arith.divf %mul3A_22, %div3A_25 : vector<2000x256xf32>
    %swap3A = arith.constant 0 : index
    %swap3A_27 = arith.constant 0 : index
    %swap3A_28 = vector.load %arg5[%swap3A, %swap3A_27] : memref<2000x256xf32, #tpu.memory_space<vmem>>, vector<2000x256xf32>
    tpu.vector_store %arg5[%swap3A, %swap3A_27], %div3A_26 {strides = array<i32>} : memref<2000x256xf32, #tpu.memory_space<vmem>>, vector<2000x256xf32>,
    return
  }
  func.func @transform_0(%arg0: i32) -> (i32, i32) {
    %c0_i32 = arith.constant 0 : i32
    %c0_i32_0 = arith.constant 0 : i32
    return %arg0, %c0_i32 : i32, i32
  }
  func.func @transform_1(%arg0: i32) -> (i32, i32) {
    %c0_i32 = arith.constant 0 : i32
    %c0_i32_0 = arith.constant 0 : i32
    return %arg0, %c0_i32 : i32, i32
  }
  func.func @transform_2(%arg0: i32) -> (i32, i32) {
    %c0_i32 = arith.constant 0 : i32
    %c0_i32_0 = arith.constant 0 : i32
    return %arg0, %c0_i32 : i32, i32
  }
  func.func @transform_3(%arg0: i32) -> (i32, i32) {
    %c0_i32 = arith.constant 0 : i32
    %c0_i32_0 = arith.constant 0 : i32
    %c0_i32_1 = arith.constant 0 : i32
    return %c0_i32, %c0_i32_0 : i32, i32
  }
  func.func @transform_4(%arg0: i32) -> (i32, i32) {
    %c0_i32 = arith.constant 0 : i32
    %c0_i32_0 = arith.constant 0 : i32
    return %arg0, %c0_i32 : i32, i32
  }
}

</mosaic_0001>

<sc_bundles>
// kernel: kernel.5.cloned.1.call-start
scs
__scs_entry_jumppad:
0x0: {  	(pc) =	sbr.rel $0x88, $3  }
0x1: {  	(tag) =	ssettag $0x0;
	lr =	simm.s32 $0x1  }
0x2: {  	[smem:$0x3F9C] =	sst lr;
	_ =	strace $0xD0000000  }
0x3: {  	_ = 	snop  }
0x4: {  	_ = 	snop  }
0x5: {  	_ = 	snop  }
0x6: {  	_ = 	snop  }
0x7: {  	_ = 	snop  }
__scs_overlays_trampoline_lowered:
0x8: {  	[smem:$0x3FAB] =	sst s0  }
0x9: {  	[smem:$0x3FAC] =	sst s1  }
0xa: {  	[smem:$0x3FAD] =	sst s2  }
0xb: {  	[smem:$0x3FAE] =	sst s3  }
0xc: {  	[smem:$0x3FAF] =	sst s4  }
0xd: {  	[smem:$0x3FB0] =	sst s5  }
0xe: {  	[smem:$0x3FB1] =	sst s6  }
0xf: {  	[smem:$0x3FB2] =	sst s7  }
0x10: {  	[smem:$0x3FB3] =	sst s8  }
0x11: {  	[smem:$0x3FB4] =	sst s9;
	s0 =	simm.s32 @!p0 $0x0  }
0x12: {  	s1 =	sld [smem:$0x3F9A];
	s0 =	simm.s32 @p0 $0x1  }
0x13: {  	[smem:$0x3FB5] =	sst s0;
	s0 =	simm.s32 @!p1 $0x0  }
0x14: {  	s2 =	sld [smem:$0x3F99];
	s0 =	simm.s32 @p1 $0x1  }
0x15: {  	[smem:$0x3FB6] =	sst s0;
	s0 =	simm.s32 @!p2 $0x0  }
0x16: {  	s3 =	sld [smem:$0x3FDB];
	s0 =	simm.s32 @p2 $0x1  }
0x17: {  	s4 =	simm.s32 $0x1BF5;
	[smem:$0x3FB8] =	sst s0  }
0x18: {  	s0 =	sld [smem:$0x3F9B];
	_ =	swait.ge [sflag:s4], $0x0  }
0x19: {  	s7 =	sld [smem:$0x3F9C]  }
0x1a: {  	s8 =	sadd.s32 $0xFFFFE003, lr  }
0x1b: {  	s9 =	sadd.s32 $0xFFFFFEF7, lr;
	s5 =	simm.s32 $0xFFFFFFFF;
	p2 =	slt.u32 s8, $0xFFFFF086  }
0x1c: {  	p1 =	slt.u32 s9, $0xF7A;
	s5 =	simm.s32 @!p2 $0x0  }
0x1d: {  	s5 =	simm.s32 @p1 $0x1;
	p0 =	seq.s32 s7, s2  }
0x1e: {  	s7 =	smul.u32 @!p0 $0xF7A, s2;
	p2 =	seq.s32 @!p0 s5, $0x0  }
0x1f: {  	s9 =	smul.u32 $0xF7A, s1;
	s8 =	simm.s32 @!p0 $0x1BF5;
	p2 =	por !p2, p0  }
0x20: {  	[sflag:s8] =	ssyncset.s32 @!p0 $0xFFFFF086;
	s6 =	sadd.s32 @!p0 s3, s7;
	s7 =	simm.s32 @!p0 $0x108  }
0x21: {  	s3 =	sadd.s32 s3, s9;
	s6 =	sadd.s32 @!p0 $0x88, s6;
	s7 =	simm.s32 @p2 $0x1082  }
0x22: {  	[simem:s7], [sflag:s8] =	dma.local @!p0 [hbm:s6], $0xF7A  }
0x23: {  	s9 =	sor.u32 $0xD0000000, s2;
	s6 =	simm.s32 $0x108;
	_ =	swait.ge @!p0 [sflag:s8], $0x0  }
0x24: {  	s3 =	sadd.s32 $0x88, s3;
	s6 =	simm.s32 @!p1 $0x1082;
	[sflag:s4] =	ssyncset.s32 $0xFFFFF086  }
0x25: {  	[simem:s6], [sflag:s4] =	dma.local [hbm:s3], $0xF7A  }
0x26: {  	[smem:$0x3F9C] =	sst s1;
	(tag) =	ssettag s2;
	_ =	strace s9  }
0x27: {  	s1 =	sld [smem:$0x3FAC]  }
0x28: {  	s2 =	sld [smem:$0x3FAD]  }
0x29: {  	s4 =	sld [smem:$0x3FAF]  }
0x2a: {  	p0 =	seq.s32 s5, $0x0;
	s5 =	sld [smem:$0x3FB0]  }
0x2b: {  	s6 =	sld [smem:$0x3FB1]  }
0x2c: {  	s7 =	sld [smem:$0x3FB2]  }
0x2d: {  	s3 =	simm.s32 $0x108;
	s8 =	sld [smem:$0x3FB3]  }
0x2e: {  	s3 =	simm.s32 @!p0 $0x1082;
	s9 =	sld [smem:$0x3FB4]  }
0x2f: {  	lr =	sadd.s32 s0, s3;
	s0 =	sld [smem:$0x3FAB]  }
0x30: {  	s3 =	sld [smem:$0x3FAE]  }
0x31: {  	[smem:$0x3FB7] =	sst s10  }
0x32: {  	s10 =	sld [smem:$0x3FB5];
	_ =	sdelay $0x3  }
0x33: {  	p0 =	seq.s32 s10, $0x1;
	s10 =	sld [smem:$0x3FB7];
	_ =	sdelay $0x3  }
0x34: {  	[smem:$0x3FB7] =	sst s10  }
0x35: {  	s10 =	sld [smem:$0x3FB6];
	_ =	sdelay $0x3  }
0x36: {  	p1 =	seq.s32 s10, $0x1;
	s10 =	sld [smem:$0x3FB7];
	_ =	sdelay $0x3  }
0x37: {  	[smem:$0x3FB7] =	sst s10  }
0x38: {  	s10 =	sld [smem:$0x3FB8]  }
0x39: {  	_ = 	snop;
	(pc) =	sbr.ind lr, $3  }
0x3a: {  	_ = 	snop  }
0x3b: {  	_ = 	snop  }
0x3c: {  	p2 =	seq.s32 s10, $0x1;
	s10 =	sld [smem:$0x3FB7]  }
0x3d: {  	_ =	shalt  }
0x3e: {  	_ =	shalt  }
0x3f: {  	_ =	shalt  }
0x40: {  	_ =	shalt  }
0x41: {  	_ =	shalt  }
0x42: {  	_ =	shalt  }
0x43: {  	_ =	shalt  }
0x44: {  	_ =	shalt  }
0x45: {  	_ =	shalt  }
0x46: {  	_ =	shalt  }
0x47: {  	_ =	shalt  }
0x48: {  	_ =	shalt  }
0x49: {  	_ =	shalt  }
0x4a: {  	_ =	shalt  }
0x4b: {  	_ =	shalt  }
0x4c: {  	_ =	shalt  }
0x4d: {  	_ =	shalt  }
0x4e: {  	_ =	shalt  }
0x4f: {  	_ =	shalt  }
0x50: {  	_ =	shalt  }
0x51: {  	_ =	shalt  }
0x52: {  	_ =	shalt  }
0x53: {  	_ =	shalt  }
0x54: {  	_ =	shalt  }
0x55: {  	_ =	shalt  }
0x56: {  	_ =	shalt  }
0x57: {  	_ =	shalt  }
0x58: {  	_ =	shalt  }
0x59: {  	_ =	shalt  }
0x5a: {  	_ =	shalt  }
0x5b: {  	_ =	shalt  }
0x5c: {  	_ =	shalt  }
0x5d: {  	_ =	shalt  }
0x5e: {  	_ =	shalt  }
0x5f: {  	_ =	shalt  }
0x60: {  	_ =	shalt  }
0x61: {  	_ =	shalt  }
0x62: {  	_ =	shalt  }
0x63: {  	_ =	shalt  }
0x64: {  	_ =	shalt  }
0x65: {  	_ =	shalt  }
0x66: {  	_ =	shalt  }
0x67: {  	_ =	shalt  }
0x68: {  	_ =	shalt  }
0x69: {  	_ =	shalt  }
0x6a: {  	_ =	shalt  }
0x6b: {  	_ =	shalt  }
0x6c: {  	_ =	shalt  }
0x6d: {  	_ =	shalt  }
0x6e: {  	_ =	shalt  }
0x6f: {  	_ =	shalt  }
0x70: {  	_ =	shalt  }
0x71: {  	_ =	shalt  }
0x72: {  	_ =	shalt  }
0x73: {  	_ =	shalt  }
0x74: {  	_ =	shalt  }
0x75: {  	_ =	shalt  }
0x76: {  	_ =	shalt  }
0x77: {  	_ =	shalt  }
0x78: {  	_ =	shalt  }
0x79: {  	_ =	shalt  }
0x7a: {  	_ =	shalt  }
0x7b: {  	_ =	shalt  }
0x7c: {  	_ =	shalt  }
0x7d: {  	_ =	shalt  }
0x7e: {  	_ =	shalt  }
0x7f: {  	_ =	shalt  }
0x80: {  	_ =	shalt  }
0x81: {  	_ =	shalt  }
0x82: {  	_ =	shalt  }
0x83: {  	_ =	shalt  }
0x84: {  	_ =	shalt  }
0x85: {  	_ =	shalt  }
0x86: {  	_ =	shalt  }
0x87: {  	_ =	shalt  }
.Lfunc_end0:
.L_simem_size_0:
called_computation_lowered:
.L_overlay_start_0:
0x88: {  	s2 =	sld [smem:$0x3FD9]  }
0x89: {  	s3 =	sld [smem:$0x3FFE];
	_ =	sdelay $0x1  }
0x8a: {  	s1 =	srdreg.scid  }
0x8b: {  	s0 =	sand.u32 $0x1, s1  }
0x8c: {  	s17 =	sshll.u32 s0, $0xA;
	s2 =	sadd.s32 s3, s2  }
0x8d: {  	s2 =	sadd.s32 s2, s17  }
0x8e: {  	[smem:$0x3FC3] =	sst s2  }
0x8f: {  	_ = 	snop  }
0x90: {  	s2 =	sld [smem:$0x3FD0];
	(tm) =	ssettm $0x1  }
0x91: {  	s18 =	sld [smem:$0x3FFB];
	_ =	sdelay $0x3  }
0x92: {  	_ =	strace s18  }
0x93: {  	s3 =	sld [smem:$0x3FFC];
	_ =	sdelay $0x3  }
0x94: {  	_ =	strace s3  }
0x95: {  	s3 =	sld [smem:$0x3FFD];
	_ =	sdelay $0x3  }
0x96: {  	_ =	strace s3  }
0x97: {  	_ =	strace $0x8FFFFFFF  }
0x98: {  	s19 =	sld [smem:$0x3FDB];
	_ =	sdelay $0x1  }
0x99: {  	s4 =	simm.s32 $_scs_section_size  }
0x9a: {  	s5 =	simm.s32 $_size__tile_overlayer_lowered;
	s6 =	simm.s32 $_tile_overlayer_lowered  }
0x9b: {  	s22 =	simm.s32 $0x1BFF;
	s21 =	sshll.u32 s6, $0x1;
	s3 =	sadd.s32 s4, s19  }
0x9c: {  	s7 =	simm.s32 $0x0;
	s20 =	sshll.u32 s5, $0x1;
	s5 =	sadd.s32 s21, s3  }
0x9d: {  	[timem:s7], [sflag:s22] =	dma.local [hbm:s5], s20  }
0x9e: {  	_ =	swait.ge [sflag:s22], s20  }
0x9f: {  	s4 =	ssub.s32 $0x0, s20;
	[sflag:s22] =	ssyncset.done $0x0  }
0xa0: {  	[sflag:s22] =	ssyncadd.s32 s4;
	_ =	sdelay $0x1  }
0xa1: {  	s23 =	simm.s32 $0x1B8B  }
0xa2: {  	_ =	swait.ge [sflag:s23], $0x1  }
0xa3: {  	[sflag:s23] =	ssyncset.done $0x0  }
0xa4: {  	s25 =	simm.s32 $0x1B8E;
	s24 =	sld [smem:$0x3FFE];
	[sflag:s23] =	ssyncadd.s32 $0xFFFFFFFF  }
0xa5: {  	s26 =	simm.s32 $execute0_lowered;
	[smem:$0x3FD2] =	sst s25  }
0xa6: {  	s5 =	sshll.u32 s26, $0x1;
	_ =	strace $0x80000046;
	[dreg:$0x1] =	wrdreg $0xFFFFFFFF  }
0xa7: {  	s28 =	simm.s32 $_size_execute0_lowered;
	s3 =	sadd.s32 s3, s5;
	[dreg:$0x0] =	wrdreg $0x0  }
0xa8: {  	s5 =	sshll.u32 s28, $0x1;
	[dreg:$0x2] =	wrdreg s3  }
0xa9: {  	[dreg:$0x3] =	wrdreg s5  }
0xaa: {  	[dreg:$0x4] =	wrdreg $0xC0  }
0xab: {  	_ =	task [dreg:s7], $0x5FFFF  }
0xac: {  	[dreg:$0x1] =	wrdreg $0xFFFFFFFF  }
0xad: {  	[dreg:$0x0] =	wrdreg $0x60  }
0xae: {  	[dreg:$0x2] =	wrdreg s24  }
0xaf: {  	[dreg:$0x3] =	wrdreg s2  }
0xb0: {  	[dreg:$0x4] =	wrdreg $0x0  }
0xb1: {  	[dreg:$0x5] =	wrdreg $0x140000  }
0xb2: {  	[dreg:$0x6] =	wrdreg $0x9  }
0xb3: {  	_ =	task.clear_ibuf [dreg:s7], $0x7FFFF;
	_ =	strace $0x90000046  }
0xb4: {  	s29 =	simm.s32 $0x9;
	_ =	strace $0x80000048  }
0xb5: {  	_ =	swait.ge [sflag:s29], $0x1  }
0xb6: {  	[sflag:s29] =	ssyncadd.s32 $0xFFFFFFFF  }
0xb7: {  	_ =	strace $0x90000048  }
0xb8: {  	_ =	sfence  }
0xb9: {  	s30 =	sld [smem:$0x0];
	_ =	sdelay $0x2  }
0xba: {  	s31 =	sshll.u32 s1, $0xD;
	s1 =	sshrl.u32 s1, $0x2  }
0xbb: {  	s3 =	sand.u32 $0x4000, s31;
	s1 =	sadd.s32 s1, s30  }
0xbc: {  	s0 =	sor.u32 s3, s0;
	s1 =	sshll.u32 s1, $0x11  }
0xbd: {  	s0 =	sor.u32 s1, s0  }
0xbe: {  	s0 =	sadd.s32 $0x8F2B, s0  }
0xbf: {  	[sflag:s0] =	ssyncadd.remote.s32 $0x1  }
0xc0: {  	_ =	sfence.sel $0xFFFF  }
0xc1: {  	[dreg:$0x0] =	wrdreg $0xFFFFFFFF;
	(pc) =	sbr.abs _section_cstart, $3  }
0xc2: {  	[dreg:$0x1] =	wrdreg $0xFFFFFFFF  }
0xc3: {  	_ =	task.clear_ibuf [dreg:s7], $0x2FFFF;
	_ =	strace $0x9FFFFFFF  }
0xc4: {  	(tm) =	ssettm $0x7FFFFFFF  }
0xc5: {  	_ =	shalt  }
tec
execute0_lowered:
.L_overlay_start_1:
0x0: {  	(tag) =	ssettag $0x1  }
0x1: {  	s0 =	rddreg [dreg:$0x0]  }
0x2: {  	s3 =	rddreg [dreg:$0x1]  }
0x3: {  	s1 =	rddreg [dreg:$0x2]  }
0x4: {  	s2 =	rddreg [dreg:$0x3]  }
0x5: {  	s4 =	simm.s32 $0x0;
	s19 =	stileid.u32;
	s8 =	srdreg.scid  }
0x6: {  	s31 =	simm.s32 $0x177A0;
	s30 =	simm.s32 $0x6;
	[smem:$0x7FF] =	sst s4  }
0x7: {  	s5 =	sadd.s32 $0xB800, s0;
	s6 =	sadd.s32 $0x32A00, s0;
	s22 =	smul.u32 $0x14000, s19  }
0x8: {  	s7 =	sadd.s32 $0x1A00, s0;
	s9 =	smul.u32 $0x2800, s19;
	s8 =	sand.u32 $0x1, s8  }
0x9: {  	s12 =	smul.u32 $0x280, s19;
	_ =	strace $0x80000047;
	s11 =	ssub.s32 $0x2, s8  }
0xa: {  	p0 =	sne.s32 s8, $0x0;
	s10 =	sshrl.u32 s22, $0x3;
	s14 =	sshrl.u32 s9, $0x3  }
0xb: {  	s15 =	sshrl.u32 s11, $0x1;
	s4 =	sadd.s32 s22, s1;
	s16 =	sadd.s32 $0xF0, s12  }
0xc: {  	s17 =	sadd.s32 $0x140, s12;
	s18 =	sadd.s32 $0x190, s12;
	s21 =	sadd.s32 $0x1E0, s12  }
0xd: {  	s22 =	smul.u32 $0xA000, s19;
	s13 =	sadd.s32 s10, s0;
	s0 =	sadd.s32 s14, s0  }
0xe: {  	s11 =	ssub.s32 s11, s15;
	s14 =	sor.u32 $0x50, s12;
	[dreg:$0x5] =	wrdreg s4  }
0xf: {  	s15 =	sadd.s32 $0xA0, s12;
	s25 =	sshll.u32 s16, $0x7;
	s26 =	sshll.u32 s17, $0x7  }
0x10: {  	s3 =	sadd.s32 s3, s10;
	s20 =	sshll.u32 s18, $0x7;
	s23 =	sshll.u32 s14, $0x7  }
0x11: {  	s24 =	sshll.u32 s15, $0x7;
	[dreg:$0xa] =	wrdreg s3;
	s3 =	sadd.s32 s20, s1  }
0x12: {  	s8 =	sshrl.u32 s22, $0x2;
	s22 =	sadd.s32 $0x5EC00, s13;
	[dreg:$0xb] =	wrdreg s3  }
0x13: {  	s0 =	sadd.s32 $0x59C00, s0;
	s4 =	sadd.s32 s23, s1;
	[dreg:$0x16] =	wrdreg s22  }
0x14: {  	s23 =	sadd.s32 $0x230, s12;
	s8 =	sadd.s32 s8, s2;
	[dreg:$0x17] =	wrdreg s0  }
0x15: {  	s12 =	sshll.u32 s16, $0x4;
	s16 =	sshll.u32 s18, $0x4;
	[dreg:$0x6] =	wrdreg s4  }
0x16: {  	s22 =	simm.s32 $0x176B0;
	s4 =	sadd.s32 s24, s1;
	[dreg:$0xe] =	wrdreg s8  }
0x17: {  	s24 =	sshll.u32 s21, $0x7;
	s3 =	sshll.u32 s23, $0x4;
	[dreg:$0x7] =	wrdreg s4  }
0x18: {  	s4 =	sadd.s32 s25, s1;
	s10 =	sadd.s32 s24, s1;
	s25 =	sshll.u32 s23, $0x7  }
0x19: {  	s3 =	sadd.s32 s3, s2;
	s23 =	smul.u32 $0x4E2, s19;
	s24 =	sadd.s32 s9, s2  }
0x1a: {  	s9 =	simm.s32 $0x16800;
	[dreg:$0x8] =	wrdreg s4;
	s4 =	sadd.s32 s26, s1  }
0x1b: {  	[dreg:$0xc] =	wrdreg s10;
	s10 =	sadd.s32 s25, s1;
	s26 =	sshll.u32 s14, $0x4  }
0x1c: {  	s14 =	sadd.s32 s12, s2;
	[dreg:$0x15] =	wrdreg s3;
	s0 =	sshrl.u32 s24, $0x3  }
0x1d: {  	s12 =	simm.s32 $0x1;
	s24 =	simm.s32 $0x17750;
	[dreg:$0x9] =	wrdreg s4  }
0x1e: {  	[dreg:$0xd] =	wrdreg s10;
	s8 =	sadd.s32 s26, s2;
	s10 =	sshll.u32 s15, $0x4  }
0x1f: {  	[dreg:$0x11] =	wrdreg s14;
	s15 =	sshll.u32 s17, $0x4;
	s4 =	sshll.u32 s21, $0x4  }
0x20: {  	s21 =	smul.u32 $0x2710, s19;
	s17 =	sadd.s32 s16, s2;
	s26 =	smax.u32 s11, $0x1  }
0x21: {  	s3 =	sadd.s32 s23, s7;
	[dreg:$0x1a] =	wrdreg s0;
	s11 =	simm.s32 $0x19FA0  }
0x22: {  	s14 =	simm.s32 $0x1C7A0;
	s16 =	simm.s32 $0x2;
	[dreg:$0xf] =	wrdreg s8  }
0x23: {  	s19 =	simm.s32 $0x17660;
	s23 =	simm.s32 $0x17700;
	[dreg:$0x13] =	wrdreg s17  }
0x24: {  	s8 =	sadd.s32 s10, s2;
	s4 =	sadd.s32 s4, s2;
	[dreg:$0x18] =	wrdreg s26  }
0x25: {  	[dreg:$0x19] =	wrdreg s3;
	s3 =	simm.s32 $0x50;
	s17 =	simm.s32 $0x3  }
.Ltmp0:
0x26: {  	s26 =	simm.s32 $0x4;
	[dreg:$0x10] =	wrdreg s8;
	(pc) =	sbr.rel .LBB2_1-.Ltmp0, $4  }
0x27: {  	s8 =	sadd.s32 s15, s2;
	[dreg:$0x14] =	wrdreg s4;
	s18 =	sshrl.u32 s21, $0x3  }
0x28: {  	s25 =	sadd.s32 $0x27100, s21;
	s15 =	simm.s32 $0x1EFA0;
	s4 =	simm.s32 $0x0  }
0x29: {  	[dreg:$0x12] =	wrdreg s8;
	s28 =	sadd.s32 s7, s18;
	s20 =	sshrl.u32 s25, $0x3  }
0x2a: {  	v0 =	vimm.f32 $0.0e+00;
	v1 =	vimm.f32 $1.000000000e+00;
	s18 =	simm.s32 $0x16F30;
	s29 =	sadd.s32 s7, s20;
	s20 =	simm.s32 $0x16F80  }
.LBB2_11:
0x2b: {  	[spmem:s1] =	stream.indirect.scatter.add.f32 [tilespmem:s31], [sflag:$0x6], $0x80, s24, s3, $0xb8;
	[tilespmem:$0x1F4A0] =	vst v63  }
0x2c: {  	_ =	swait.ge [sflag:s30], $0x2800  }
0x2d: {  	[sflag:s30] =	ssyncset.done $0x0  }
0x2e: {  	[sflag:s30] =	ssyncadd.s32 $0xFFFFD800  }
.LBB2_13:
0x2f: {  	s0 =	stileid.u32;
	[bflag:$0x0] =	sbarrier.arrive $0xFFFF  }
0x30: {  	s0 =	sshll.u32 s0, $0x6;
	s4 =	rddreg [dreg:$0x5]  }
0x31: {  	s8 =	rddreg [dreg:$0x16];
	s0 =	sor.u32 $0x1C06, s0;
	s4 =	sshrl.u32 s4, $0x3  }
0x32: {  	[hbm:s8], [sflag:s0] =	dma.local [spmem:s4], $0x2800  }
0x33: {  	_ =	swait.ge [sflag:s30], $0x2800  }
0x34: {  	[sflag:s30] =	ssyncset.done $0x0  }
0x35: {  	s4 =	rddreg [dreg:$0x1b];
	[sflag:s30] =	ssyncadd.s32 $0xFFFFD800  }
.LBB2_14:
0x36: {  	s4 =	sadd.s32 $0x1, s4;
	s0 =	rddreg [dreg:$0x18]  }
0x37: {  	p1 =	sne.s32 s4, s0  }
.Ltmp1:
0x38: {  	_ = 	snop;
	(pc) =	sbr.rel @!p1 .LBB2_15-.Ltmp1, $1  }
0x39: {  	_ =	sdelay $0x3  }
.LBB2_1:
0x3a: {  	s0 =	simm.s32 $0x177E0  }
0x3b: {  	[tilespmem:s0+$0xFFFFFFD0] =	vst v0  }
0x3c: {  	[tilespmem:s0+$0xFFFFFFE0] =	vst v0  }
0x3d: {  	[tilespmem:s0+$0xFFFFFFF0] =	vst v0  }
0x3e: {  	[tilespmem:s0+$0x0] =	vst v0  }
0x3f: {  	[tilespmem:s0+$0x10] =	vst v0  }
0x40: {  	[tilespmem:s0+$0x20] =	vst v0  }
0x41: {  	[tilespmem:s0+$0x30] =	vst v0  }
0x42: {  	[dreg:$0x1b] =	wrdreg s4;
	s13 =	simm.s32 $0x0;
	s4 =	simm.s32 $0x40;
	[tilespmem:s0+$0xFFFFFFC0] =	vst v0  }
.LBB2_2:
0x43: {  	p1 =	sne.s32 s4, $0x13C0;
	[tilespmem:s13+$0x1EFA0] =	vst v0;
	s0 =	sadd.s32 $0x80, s0  }
0x44: {  	[tilespmem:s0+$0xFFFFFFD0] =	vst v0  }
0x45: {  	[tilespmem:s0+$0xFFFFFFE0] =	vst v0  }
0x46: {  	[tilespmem:s0+$0xFFFFFFF0] =	vst v0  }
.Ltmp2:
0x47: {  	[tilespmem:s0+$0x0] =	vst v0;
	(pc) =	sbr.rel @p1 .LBB2_2-.Ltmp2, $4  }
0x48: {  	[tilespmem:s0+$0x10] =	vst v0  }
0x49: {  	[tilespmem:s0+$0x20] =	vst v0  }
0x4a: {  	[tilespmem:s0+$0x30] =	vst v0  }
0x4b: {  	s13 =	sshra.s32 s4, $0x2;
	s4 =	sadd.s32 $0x40, s4;
	[tilespmem:s0+$0xFFFFFFC0] =	vst v0  }
0x4c: {  	[tilespmem:s13+$0x1EFA0] =	vst v0;
	s0 =	rddreg [dreg:$0x5]  }
0x4d: {  	[spmem:s0] =	stream.linear.scatter [tilespmem:s31], [sflag:$0x6], $0x2800, $0x38;
	[tilespmem:$0x1F4A0] =	vst v63  }
0x4e: {  	_ =	swait.ge [sflag:s30], $0x2800  }
0x4f: {  	[sflag:s30] =	ssyncset.done $0x0  }
0x50: {  	s8 =	rddreg [dreg:$0x6];
	[sflag:s30] =	ssyncadd.s32 $0xFFFFD800  }
0x51: {  	[spmem:s8] =	stream.linear.scatter [tilespmem:s31], [sflag:$0x6], $0x2800, $0x38;
	[tilespmem:$0x1F4A0] =	vst v63  }
0x52: {  	_ =	swait.ge [sflag:s30], $0x2800  }
0x53: {  	[sflag:s30] =	ssyncset.done $0x0  }
0x54: {  	s10 =	rddreg [dreg:$0x7];
	[sflag:s30] =	ssyncadd.s32 $0xFFFFD800  }
0x55: {  	[spmem:s10] =	stream.linear.scatter [tilespmem:s31], [sflag:$0x6], $0x2800, $0x38;
	[tilespmem:$0x1F4A0] =	vst v63  }
0x56: {  	_ =	swait.ge [sflag:s30], $0x2800  }
0x57: {  	[sflag:s30] =	ssyncset.done $0x0  }
0x58: {  	s13 =	rddreg [dreg:$0x8];
	[sflag:s30] =	ssyncadd.s32 $0xFFFFD800  }
0x59: {  	[spmem:s13] =	stream.linear.scatter [tilespmem:s31], [sflag:$0x6], $0x2800, $0x38;
	[tilespmem:$0x1F4A0] =	vst v63  }
0x5a: {  	_ =	swait.ge [sflag:s30], $0x2800  }
0x5b: {  	[sflag:s30] =	ssyncset.done $0x0  }
0x5c: {  	s4 =	rddreg [dreg:$0x9];
	[sflag:s30] =	ssyncadd.s32 $0xFFFFD800  }
0x5d: {  	[spmem:s4] =	stream.linear.scatter [tilespmem:s31], [sflag:$0x6], $0x2800, $0x38;
	[tilespmem:$0x1F4A0] =	vst v63  }
0x5e: {  	_ =	swait.ge [sflag:s30], $0x2800  }
0x5f: {  	[sflag:s30] =	ssyncset.done $0x0  }
0x60: {  	s8 =	rddreg [dreg:$0xb];
	[sflag:s30] =	ssyncadd.s32 $0xFFFFD800  }
0x61: {  	[spmem:s8] =	stream.linear.scatter [tilespmem:s31], [sflag:$0x6], $0x2800, $0x38;
	[tilespmem:$0x1F4A0] =	vst v63  }
0x62: {  	_ =	swait.ge [sflag:s30], $0x2800  }
0x63: {  	[sflag:s30] =	ssyncset.done $0x0  }
0x64: {  	s10 =	rddreg [dreg:$0xc];
	[sflag:s30] =	ssyncadd.s32 $0xFFFFD800  }
0x65: {  	[spmem:s10] =	stream.linear.scatter [tilespmem:s31], [sflag:$0x6], $0x2800, $0x38;
	[tilespmem:$0x1F4A0] =	vst v63  }
0x66: {  	_ =	swait.ge [sflag:s30], $0x2800  }
0x67: {  	[sflag:s30] =	ssyncset.done $0x0  }
0x68: {  	s13 =	rddreg [dreg:$0xd];
	[sflag:s30] =	ssyncadd.s32 $0xFFFFD800  }
0x69: {  	[spmem:s13] =	stream.linear.scatter [tilespmem:s31], [sflag:$0x6], $0x2800, $0x38;
	[tilespmem:$0x1F4A0] =	vst v63  }
0x6a: {  	_ =	swait.ge [sflag:s30], $0x2800  }
0x6b: {  	[sflag:s30] =	ssyncset.done $0x0  }
0x6c: {  	s0 =	simm.s32 @!p0 $0x1EFA0;
	s4 =	rddreg [dreg:$0xe];
	[sflag:s30] =	ssyncadd.s32 $0xFFFFD800  }
0x6d: {  	[spmem:s4] =	stream.linear.scatter @!p0 [tilespmem:s0], [sflag:$0x6], $0x500, $0x38;
	[tilespmem:$0x1F4A0] =	vst v63  }
0x6e: {  	s4 =	simm.s32 @!p0 $0x6  }
0x6f: {  	_ =	swait.ge @!p0 [sflag:s4], $0x500  }
0x70: {  	[sflag:s4] =	ssyncset.done @!p0 $0x0  }
0x71: {  	s8 =	rddreg [dreg:$0xf];
	[sflag:s4] =	ssyncadd.s32 @!p0 $0xFFFFFB00  }
0x72: {  	[spmem:s8] =	stream.linear.scatter @!p0 [tilespmem:s0], [sflag:$0x6], $0x500, $0x38;
	[tilespmem:$0x1F4A0] =	vst v63  }
0x73: {  	_ =	swait.ge @!p0 [sflag:s4], $0x500  }
0x74: {  	[sflag:s4] =	ssyncset.done @!p0 $0x0  }
0x75: {  	s8 =	rddreg [dreg:$0x10];
	[sflag:s4] =	ssyncadd.s32 @!p0 $0xFFFFFB00  }
0x76: {  	[spmem:s8] =	stream.linear.scatter @!p0 [tilespmem:s0], [sflag:$0x6], $0x500, $0x38;
	[tilespmem:$0x1F4A0] =	vst v63  }
0x77: {  	_ =	swait.ge @!p0 [sflag:s4], $0x500  }
0x78: {  	[sflag:s4] =	ssyncset.done @!p0 $0x0  }
0x79: {  	s8 =	rddreg [dreg:$0x11];
	[sflag:s4] =	ssyncadd.s32 @!p0 $0xFFFFFB00  }
0x7a: {  	[spmem:s8] =	stream.linear.scatter @!p0 [tilespmem:s0], [sflag:$0x6], $0x500, $0x38;
	[tilespmem:$0x1F4A0] =	vst v63  }
0x7b: {  	_ =	swait.ge @!p0 [sflag:s4], $0x500  }
0x7c: {  	[sflag:s4] =	ssyncset.done @!p0 $0x0  }
0x7d: {  	s8 =	rddreg [dreg:$0x12];
	[sflag:s4] =	ssyncadd.s32 @!p0 $0xFFFFFB00  }
0x7e: {  	[spmem:s8] =	stream.linear.scatter @!p0 [tilespmem:s0], [sflag:$0x6], $0x500, $0x38;
	[tilespmem:$0x1F4A0] =	vst v63  }
0x7f: {  	_ =	swait.ge @!p0 [sflag:s4], $0x500  }
0x80: {  	[sflag:s4] =	ssyncset.done @!p0 $0x0  }
0x81: {  	s8 =	rddreg [dreg:$0x13];
	[sflag:s4] =	ssyncadd.s32 @!p0 $0xFFFFFB00  }
0x82: {  	[spmem:s8] =	stream.linear.scatter @!p0 [tilespmem:s0], [sflag:$0x6], $0x500, $0x38;
	[tilespmem:$0x1F4A0] =	vst v63  }
0x83: {  	_ =	swait.ge @!p0 [sflag:s4], $0x500  }
0x84: {  	[sflag:s4] =	ssyncset.done @!p0 $0x0  }
0x85: {  	s8 =	rddreg [dreg:$0x14];
	[sflag:s4] =	ssyncadd.s32 @!p0 $0xFFFFFB00  }
0x86: {  	[spmem:s8] =	stream.linear.scatter @!p0 [tilespmem:s0], [sflag:$0x6], $0x500, $0x38;
	[tilespmem:$0x1F4A0] =	vst v63  }
0x87: {  	_ =	swait.ge @!p0 [sflag:s4], $0x500  }
0x88: {  	[sflag:s4] =	ssyncset.done @!p0 $0x0  }
0x89: {  	s8 =	rddreg [dreg:$0x15];
	[sflag:s4] =	ssyncadd.s32 @!p0 $0xFFFFFB00  }
0x8a: {  	[spmem:s8] =	stream.linear.scatter @!p0 [tilespmem:s0], [sflag:$0x6], $0x500, $0x38;
	[tilespmem:$0x1F4A0] =	vst v63  }
0x8b: {  	_ =	swait.ge @!p0 [sflag:s4], $0x500  }
0x8c: {  	[sflag:s4] =	ssyncset.done @!p0 $0x0  }
0x8d: {  	s0 =	simm.s32 $0x40;
	[sflag:s4] =	ssyncadd.s32 @!p0 $0xFFFFFB00;
	s4 =	simm.s32 $0x0  }
.LBB2_4:
0x8e: {  	p1 =	sne.s32 s0, $0x13C0;
	[tilespmem:s4+$0x1EFA0] =	vst v1;
	s4 =	smov.u32 s0;
	s0 =	sadd.s32 $0x40, s0  }
.Ltmp3:
0x8f: {  	(pc) =	sbr.rel @p1 .LBB2_4-.Ltmp3, $2  }
0x90: {  	_ =	sdelay $0x2  }
0x91: {  	s4 =	sshra.s32 s4, $0x2  }
.Ltmp4:
0x92: {  	(pc) =	sbr.rel @p0 .LBB2_10-.Ltmp4, $4  }
0x93: {  	_ = 	snop  }
0x94: {  	[tilespmem:s4+$0x1EFA0] =	vst v1  }
0x95: {  	[bflag:$0x0] =	sbarrier.arrive $0xFFFF  }
0x96: {  	s0 =	simm.s32 $0x0  }
.LBB2_6:
0x97: {  	p1 =	sne.s32 s0, $0x0  }
0x98: {  	s4 =	simm.s32 @p1 $0x5  }
0x99: {  	_ =	swait.ge @p1 [sflag:s4], $0x7D0  }
0x9a: {  	[sflag:s4] =	ssyncset.done @p1 $0x0  }
0x9b: {  	s13 =	simm.s32 @!p1 $0x16800;
	[sflag:s4] =	ssyncadd.s32 @p1 $0xFFFFF830;
	s4 =	simm.s32 @!p1 $0x0  }
0x9c: {  	[tilespmem:s13], [sflag:$0x6] =	stream.linear.gather @!p1 [hbm4b:s28+s4], $0x7D0, $0x38;
	[tilespmem:$0x1F4A0] =	vst v63  }
0x9d: {  	s13 =	simm.s32 @!p1 $0x6  }
0x9e: {  	_ =	swait.ge @!p1 [sflag:s13], $0x7D0  }
0x9f: {  	[sflag:s13] =	ssyncset.done @!p1 $0x0  }
0xa0: {  	s8 =	simm.s32 @!p1 $0x16FD0;
	[sflag:s13] =	ssyncadd.s32 @!p1 $0xFFFFF830;
	s13 =	simm.s32 @p1 $0x5  }
0xa1: {  	[tilespmem:s8], [sflag:$0x6] =	stream.linear.gather @!p1 [hbm4b:s29+s4], $0x7D0, $0x38;
	[tilespmem:$0x1F4A0] =	vst v63  }
0xa2: {  	_ =	swait.ge [sflag:s13], $0x7D0  }
0xa3: {  	[sflag:s13] =	ssyncset.done $0x0  }
0xa4: {  	[sflag:s13] =	ssyncadd.s32 $0xFFFFF830  }
0xa5: {  	[tilespmem:s31], [sflag:$0x1] =	stream.indirect.gather [hbm4b:s5+s3], $0x80, s9, s3, $0xb8;
	[tilespmem:$0x1F4A0] =	vst v63  }
0xa6: {  	s8 =	simm.s32 $0x16850  }
0xa7: {  	[tilespmem:s11], [sflag:$0x2] =	stream.indirect.gather [hbm4b:s5+s3], $0x80, s8, s3, $0xb8;
	[tilespmem:$0x1F4A0] =	vst v63  }
0xa8: {  	_ =	swait.ge [sflag:s12], $0x2800  }
0xa9: {  	[sflag:s12] =	ssyncset.done $0x0  }
0xaa: {  	s10 =	simm.s32 $0x168A0;
	[sflag:s12] =	ssyncadd.s32 $0xFFFFD800  }
0xab: {  	[tilespmem:s14], [sflag:$0x3] =	stream.indirect.gather [hbm4b:s5+s3], $0x80, s10, s3, $0xb8;
	[tilespmem:$0x1F4A0] =	vst v63  }
0xac: {  	s13 =	simm.s32 $0x16FD0  }
0xad: {  	[spmem:s1] =	stream.indirect.scatter.add.f32 [tilespmem:s31], [sflag:$0x6], $0x80, s13, s3, $0xb8;
	[tilespmem:$0x1F4A0] =	vst v63  }
0xae: {  	_ =	swait.ge [sflag:s30], $0x2800  }
0xaf: {  	[sflag:s30] =	ssyncset.done $0x0  }
0xb0: {  	[sflag:s30] =	ssyncadd.s32 $0xFFFFD800  }
0xb1: {  	[spmem:s2] =	stream.indirect.scatter.add.f32 [tilespmem:s15], [sflag:$0x4], $0x10, s13, s3, $0xb8;
	[tilespmem:$0x1F4A0] =	vst v63  }
0xb2: {  	_ =	swait.ge [sflag:s16], $0x2800  }
0xb3: {  	[sflag:s16] =	ssyncset.done $0x0  }
0xb4: {  	s8 =	simm.s32 $0x168F0;
	[sflag:s16] =	ssyncadd.s32 $0xFFFFD800  }
0xb5: {  	[tilespmem:s31], [sflag:$0x1] =	stream.indirect.gather [hbm4b:s5+s3], $0x80, s8, s3, $0xb8;
	[tilespmem:$0x1F4A0] =	vst v63  }
0xb6: {  	s10 =	simm.s32 $0x17020  }
0xb7: {  	[spmem:s1] =	stream.indirect.scatter.add.f32 [tilespmem:s11], [sflag:$0x6], $0x80, s10, s3, $0xb8;
	[tilespmem:$0x1F4A0] =	vst v63  }
0xb8: {  	_ =	swait.ge [sflag:s30], $0x2800  }
0xb9: {  	[sflag:s30] =	ssyncset.done $0x0  }
0xba: {  	[sflag:s30] =	ssyncadd.s32 $0xFFFFD800  }
0xbb: {  	[spmem:s2] =	stream.indirect.scatter.add.f32 [tilespmem:s15], [sflag:$0x4], $0x10, s10, s3, $0xb8;
	[tilespmem:$0x1F4A0] =	vst v63  }
0xbc: {  	_ =	swait.ge [sflag:s17], $0x2800  }
0xbd: {  	[sflag:s17] =	ssyncset.done $0x0  }
0xbe: {  	s13 =	simm.s32 $0x16940;
	[sflag:s17] =	ssyncadd.s32 $0xFFFFD800  }
0xbf: {  	[tilespmem:s11], [sflag:$0x2] =	stream.indirect.gather [hbm4b:s5+s3], $0x80, s13, s3, $0xb8;
	[tilespmem:$0x1F4A0] =	vst v63  }
0xc0: {  	s13 =	simm.s32 $0x17070  }
0xc1: {  	[spmem:s1] =	stream.indirect.scatter.add.f32 [tilespmem:s14], [sflag:$0x6], $0x80, s13, s3, $0xb8;
	[tilespmem:$0x1F4A0] =	vst v63  }
0xc2: {  	_ =	swait.ge [sflag:s30], $0x2800  }
0xc3: {  	[sflag:s30] =	ssyncset.done $0x0  }
0xc4: {  	s4 =	simm.s32 $0x3C0;
	[sflag:s30] =	ssyncadd.s32 $0xFFFFD800  }
.LBB2_7:
0xc5: {  	[spmem:s2] =	stream.indirect.scatter.add.f32 [tilespmem:s15], [sflag:$0x4], $0x10, s13, s3, $0xb8;
	[tilespmem:$0x1F4A0] =	vst v63  }
0xc6: {  	s8 =	smov.u32 s4  }
0xc7: {  	p1 =	sne.s32 s4, $0x1680;
	s4 =	sadd.s32 $0x3C0, s4;
	_ =	swait.ge [sflag:s12], $0x2800  }
0xc8: {  	s8 =	sshra.s32 s8, $0x2;
	[sflag:s12] =	ssyncset.done $0x0  }
0xc9: {  	s13 =	sadd.s32 $0x168A0, s8;
	[sflag:s12] =	ssyncadd.s32 $0xFFFFD800  }
0xca: {  	[tilespmem:s14], [sflag:$0x3] =	stream.indirect.gather [hbm4b:s5+s3], $0x80, s13, s3, $0xb8;
	[tilespmem:$0x1F4A0] =	vst v63  }
0xcb: {  	s13 =	sadd.s32 $0x16FD0, s8  }
0xcc: {  	[spmem:s1] =	stream.indirect.scatter.add.f32 [tilespmem:s31], [sflag:$0x6], $0x80, s13, s3, $0xb8;
	[tilespmem:$0x1F4A0] =	vst v63  }
0xcd: {  	_ =	swait.ge [sflag:s30], $0x2800  }
0xce: {  	[sflag:s30] =	ssyncset.done $0x0  }
0xcf: {  	[sflag:s30] =	ssyncadd.s32 $0xFFFFD800  }
0xd0: {  	[spmem:s2] =	stream.indirect.scatter.add.f32 [tilespmem:s15], [sflag:$0x4], $0x10, s13, s3, $0xb8;
	[tilespmem:$0x1F4A0] =	vst v63  }
0xd1: {  	_ =	swait.ge [sflag:s16], $0x2800  }
0xd2: {  	[sflag:s16] =	ssyncset.done $0x0  }
0xd3: {  	s13 =	sadd.s32 $0x168F0, s8;
	[sflag:s16] =	ssyncadd.s32 $0xFFFFD800  }
0xd4: {  	[tilespmem:s31], [sflag:$0x1] =	stream.indirect.gather [hbm4b:s5+s3], $0x80, s13, s3, $0xb8;
	[tilespmem:$0x1F4A0] =	vst v63  }
0xd5: {  	s13 =	sadd.s32 $0x17020, s8  }
0xd6: {  	[spmem:s1] =	stream.indirect.scatter.add.f32 [tilespmem:s11], [sflag:$0x6], $0x80, s13, s3, $0xb8;
	[tilespmem:$0x1F4A0] =	vst v63  }
0xd7: {  	_ =	swait.ge [sflag:s30], $0x2800  }
0xd8: {  	[sflag:s30] =	ssyncset.done $0x0  }
0xd9: {  	[sflag:s30] =	ssyncadd.s32 $0xFFFFD800  }
0xda: {  	[spmem:s2] =	stream.indirect.scatter.add.f32 [tilespmem:s15], [sflag:$0x4], $0x10, s13, s3, $0xb8;
	[tilespmem:$0x1F4A0] =	vst v63  }
0xdb: {  	_ =	swait.ge [sflag:s17], $0x2800  }
0xdc: {  	[sflag:s17] =	ssyncset.done $0x0  }
0xdd: {  	s13 =	sadd.s32 $0x16940, s8;
	[sflag:s17] =	ssyncadd.s32 $0xFFFFD800  }
0xde: {  	[tilespmem:s11], [sflag:$0x2] =	stream.indirect.gather [hbm4b:s5+s3], $0x80, s13, s3, $0xb8;
	[tilespmem:$0x1F4A0] =	vst v63  }
.Ltmp5:
0xdf: {  	s13 =	sadd.s32 $0x17070, s8;
	(pc) =	sbr.rel @p1 .LBB2_7-.Ltmp5, $4  }
0xe0: {  	[spmem:s1] =	stream.indirect.scatter.add.f32 [tilespmem:s14], [sflag:$0x6], $0x80, s13, s3, $0xb8;
	[tilespmem:$0x1F4A0] =	vst v63  }
0xe1: {  	_ =	swait.ge [sflag:s30], $0x2800  }
0xe2: {  	[sflag:s30] =	ssyncset.done $0x0  }
0xe3: {  	[sflag:s30] =	ssyncadd.s32 $0xFFFFD800  }
0xe4: {  	[spmem:s2] =	stream.indirect.scatter.add.f32 [tilespmem:s15], [sflag:$0x4], $0x10, s13, s3, $0xb8;
	[tilespmem:$0x1F4A0] =	vst v63  }
0xe5: {  	_ =	swait.ge [sflag:s12], $0x2800  }
0xe6: {  	[sflag:s12] =	ssyncset.done $0x0  }
0xe7: {  	[sflag:s12] =	ssyncadd.s32 $0xFFFFD800  }
0xe8: {  	[tilespmem:s14], [sflag:$0x3] =	stream.indirect.gather [hbm4b:s5+s3], $0x80, s18, s3, $0xb8;
	[tilespmem:$0x1F4A0] =	vst v63  }
0xe9: {  	_ = 	snop  }
0xea: {  	[spmem:s1] =	stream.indirect.scatter.add.f32 [tilespmem:s31], [sflag:$0x6], $0x80, s19, s3, $0xb8;
	[tilespmem:$0x1F4A0] =	vst v63  }
0xeb: {  	_ =	swait.ge [sflag:s30], $0x2800  }
0xec: {  	[sflag:s30] =	ssyncset.done $0x0  }
0xed: {  	[sflag:s30] =	ssyncadd.s32 $0xFFFFD800  }
0xee: {  	[spmem:s2] =	stream.indirect.scatter.add.f32 [tilespmem:s15], [sflag:$0x4], $0x10, s19, s3, $0xb8;
	[tilespmem:$0x1F4A0] =	vst v63  }
0xef: {  	_ =	swait.ge [sflag:s16], $0x2800  }
0xf0: {  	[sflag:s16] =	ssyncset.done $0x0  }
0xf1: {  	[sflag:s16] =	ssyncadd.s32 $0xFFFFD800  }
0xf2: {  	[tilespmem:s31], [sflag:$0x1] =	stream.indirect.gather [hbm4b:s5+s3], $0x80, s20, s3, $0xb8;
	[tilespmem:$0x1F4A0] =	vst v63  }
0xf3: {  	_ = 	snop  }
0xf4: {  	[spmem:s1] =	stream.indirect.scatter.add.f32 [tilespmem:s11], [sflag:$0x6], $0x80, s22, s3, $0xb8;
	[tilespmem:$0x1F4A0] =	vst v63  }
0xf5: {  	_ =	swait.ge [sflag:s30], $0x2800  }
0xf6: {  	[sflag:s30] =	ssyncset.done $0x0  }
0xf7: {  	[sflag:s30] =	ssyncadd.s32 $0xFFFFD800  }
0xf8: {  	[spmem:s2] =	stream.indirect.scatter.add.f32 [tilespmem:s15], [sflag:$0x4], $0x10, s22, s3, $0xb8;
	[tilespmem:$0x1F4A0] =	vst v63  }
0xf9: {  	_ =	swait.ge [sflag:s17], $0x2800  }
0xfa: {  	[sflag:s17] =	ssyncset.done $0x0  }
0xfb: {  	[sflag:s17] =	ssyncadd.s32 $0xFFFFD800  }
0xfc: {  	[spmem:s1] =	stream.indirect.scatter.add.f32 [tilespmem:s14], [sflag:$0x6], $0x80, s23, s3, $0xb8;
	[tilespmem:$0x1F4A0] =	vst v63  }
0xfd: {  	_ =	swait.ge [sflag:s30], $0x2800  }
0xfe: {  	s4 =	sadd.s32 $0x1, s0;
	p1 =	seq.s32 s0, $0x4;
	[sflag:s30] =	ssyncset.done $0x0  }
0xff: {  	s0 =	smul.u32 @!p1 $0x7D0, s4;
	[sflag:s30] =	ssyncadd.s32 $0xFFFFD800  }
0x100: {  	[spmem:s2] =	stream.indirect.scatter.add.f32 [tilespmem:s15], [sflag:$0x4], $0x10, s23, s3, $0xb8;
	[tilespmem:$0x1F4A0] =	vst v63  }
0x101: {  	s8 =	sadd.s32 @!p1 s21, s0;
	_ =	swait.ge [sflag:s12], $0x2800  }
0x102: {  	s13 =	simm.s32 @!p1 $0x0;
	s8 =	sshrl.u32 @!p1 s8, $0x3;
	[sflag:s12] =	ssyncset.done $0x0  }
0x103: {  	s10 =	simm.s32 @!p1 $0x16800;
	s8 =	sadd.s32 @!p1 s7, s8;
	[sflag:s12] =	ssyncadd.s32 $0xFFFFD800  }
0x104: {  	[tilespmem:s10], [sflag:$0x5] =	stream.linear.gather @!p1 [hbm4b:s8+s13], $0x7D0, $0x38;
	[tilespmem:$0x1F4A0] =	vst v63  }
0x105: {  	_ = 	snop  }
0x106: {  	[spmem:s1] =	stream.indirect.scatter.add.f32 [tilespmem:s31], [sflag:$0x6], $0x80, s24, s3, $0xb8;
	[tilespmem:$0x1F4A0] =	vst v63  }
0x107: {  	_ =	swait.ge [sflag:s30], $0x2800  }
0x108: {  	[sflag:s30] =	ssyncset.done $0x0  }
0x109: {  	[sflag:s30] =	ssyncadd.s32 $0xFFFFD800  }
0x10a: {  	[spmem:s2] =	stream.indirect.scatter.add.f32 [tilespmem:s15], [sflag:$0x4], $0x10, s24, s3, $0xb8;
	[tilespmem:$0x1F4A0] =	vst v63  }
0x10b: {  	_ =	swait.ge [sflag:s26], $0xA0  }
0x10c: {  	[sflag:s26] =	ssyncset.done $0x0  }
0x10d: {  	[sflag:s26] =	ssyncadd.s32 $0xFFFFFF60  }
0x10e: {  	_ =	swait.ge [sflag:s26], $0xA0  }
0x10f: {  	[sflag:s26] =	ssyncset.done $0x0  }
0x110: {  	[sflag:s26] =	ssyncadd.s32 $0xFFFFFF60  }
0x111: {  	_ =	swait.ge [sflag:s26], $0xA0  }
0x112: {  	[sflag:s26] =	ssyncset.done $0x0  }
0x113: {  	[sflag:s26] =	ssyncadd.s32 $0xFFFFFF60  }
0x114: {  	_ =	swait.ge [sflag:s26], $0xA0  }
0x115: {  	[sflag:s26] =	ssyncset.done $0x0  }
0x116: {  	[sflag:s26] =	ssyncadd.s32 $0xFFFFFF60  }
0x117: {  	_ =	swait.ge [sflag:s26], $0xA0  }
0x118: {  	[sflag:s26] =	ssyncset.done $0x0  }
0x119: {  	[sflag:s26] =	ssyncadd.s32 $0xFFFFFF60  }
0x11a: {  	_ =	swait.ge [sflag:s26], $0xA0  }
0x11b: {  	[sflag:s26] =	ssyncset.done $0x0  }
0x11c: {  	[sflag:s26] =	ssyncadd.s32 $0xFFFFFF60  }
0x11d: {  	_ =	swait.ge [sflag:s26], $0xA0  }
0x11e: {  	[sflag:s26] =	ssyncset.done $0x0  }
0x11f: {  	[sflag:s26] =	ssyncadd.s32 $0xFFFFFF60  }
0x120: {  	_ =	swait.ge [sflag:s26], $0xA0  }
0x121: {  	[sflag:s26] =	ssyncset.done $0x0  }
0x122: {  	[sflag:s26] =	ssyncadd.s32 $0xFFFFFF60  }
0x123: {  	_ =	swait.ge [sflag:s26], $0xA0  }
0x124: {  	[sflag:s26] =	ssyncset.done $0x0  }
0x125: {  	[sflag:s26] =	ssyncadd.s32 $0xFFFFFF60  }
0x126: {  	_ =	swait.ge [sflag:s26], $0xA0  }
0x127: {  	[sflag:s26] =	ssyncset.done $0x0  }
0x128: {  	[sflag:s26] =	ssyncadd.s32 $0xFFFFFF60  }
0x129: {  	_ =	swait.ge [sflag:s26], $0xA0  }
0x12a: {  	[sflag:s26] =	ssyncset.done $0x0  }
0x12b: {  	[sflag:s26] =	ssyncadd.s32 $0xFFFFFF60  }
0x12c: {  	_ =	swait.ge [sflag:s26], $0xA0  }
0x12d: {  	[sflag:s26] =	ssyncset.done $0x0  }
0x12e: {  	[sflag:s26] =	ssyncadd.s32 $0xFFFFFF60  }
0x12f: {  	_ =	swait.ge [sflag:s26], $0xA0  }
0x130: {  	[sflag:s26] =	ssyncset.done $0x0  }
0x131: {  	[sflag:s26] =	ssyncadd.s32 $0xFFFFFF60  }
0x132: {  	_ =	swait.ge [sflag:s26], $0xA0  }
0x133: {  	[sflag:s26] =	ssyncset.done $0x0  }
0x134: {  	[sflag:s26] =	ssyncadd.s32 $0xFFFFFF60  }
0x135: {  	_ =	swait.ge [sflag:s26], $0xA0  }
0x136: {  	[sflag:s26] =	ssyncset.done $0x0  }
0x137: {  	[sflag:s26] =	ssyncadd.s32 $0xFFFFFF60  }
0x138: {  	_ =	swait.ge [sflag:s26], $0xA0  }
0x139: {  	[sflag:s26] =	ssyncset.done $0x0  }
0x13a: {  	[sflag:s26] =	ssyncadd.s32 $0xFFFFFF60  }
0x13b: {  	_ =	swait.ge [sflag:s26], $0xA0  }
0x13c: {  	[sflag:s26] =	ssyncset.done $0x0  }
0x13d: {  	[sflag:s26] =	ssyncadd.s32 $0xFFFFFF60  }
0x13e: {  	_ =	swait.ge [sflag:s26], $0xA0  }
0x13f: {  	[sflag:s26] =	ssyncset.done $0x0  }
0x140: {  	[sflag:s26] =	ssyncadd.s32 $0xFFFFFF60  }
0x141: {  	_ =	swait.ge [sflag:s26], $0xA0  }
0x142: {  	[sflag:s26] =	ssyncset.done $0x0  }
0x143: {  	[sflag:s26] =	ssyncadd.s32 $0xFFFFFF60  }
0x144: {  	_ =	swait.ge [sflag:s26], $0xA0  }
0x145: {  	[sflag:s26] =	ssyncset.done $0x0  }
0x146: {  	[sflag:s26] =	ssyncadd.s32 $0xFFFFFF60  }
0x147: {  	_ =	swait.ge [sflag:s26], $0xA0  }
0x148: {  	[sflag:s26] =	ssyncset.done $0x0  }
0x149: {  	[sflag:s26] =	ssyncadd.s32 $0xFFFFFF60  }
0x14a: {  	_ =	swait.ge [sflag:s26], $0xA0  }
0x14b: {  	[sflag:s26] =	ssyncset.done $0x0  }
0x14c: {  	[sflag:s26] =	ssyncadd.s32 $0xFFFFFF60  }
0x14d: {  	_ =	swait.ge [sflag:s26], $0xA0  }
0x14e: {  	[sflag:s26] =	ssyncset.done $0x0  }
0x14f: {  	[sflag:s26] =	ssyncadd.s32 $0xFFFFFF60  }
0x150: {  	_ =	swait.ge [sflag:s26], $0xA0  }
0x151: {  	[sflag:s26] =	ssyncset.done $0x0  }
0x152: {  	[sflag:s26] =	ssyncadd.s32 $0xFFFFFF60  }
0x153: {  	s0 =	sadd.s32 @!p1 s0, s25;
	_ =	swait.ge [sflag:s26], $0xA0  }
0x154: {  	p2 =	sne.s32 @!p1 s4, $0x5;
	s0 =	sshrl.u32 @!p1 s0, $0x3;
	[sflag:s26] =	ssyncset.done $0x0  }
0x155: {  	s0 =	sadd.s32 @!p1 s7, s0;
	s8 =	simm.s32 @!p1 $0x16FD0;
	[sflag:s26] =	ssyncadd.s32 $0xFFFFFF60  }
0x156: {  	[tilespmem:s8], [sflag:$0x5] =	stream.linear.gather @!p1 [hbm4b:s0+s13], $0x7D0, $0x38;
	[tilespmem:$0x1F4A0] =	vst v63  }
0x157: {  	p1 =	por p1, !p2  }
.Ltmp6:
0x158: {  	_ = 	snop;
	(pc) =	sbr.rel @!p1 .LBB2_6-.Ltmp6, $2  }
0x159: {  	_ =	sdelay $0x2  }
0x15a: {  	s0 =	smov.u32 s4  }
0x15b: {  	s0 =	stileid.u32;
	[bflag:$0x0] =	sbarrier.arrive $0xFFFF  }
0x15c: {  	s0 =	sshll.u32 s0, $0x6;
	s4 =	rddreg [dreg:$0x5]  }
0x15d: {  	s8 =	rddreg [dreg:$0xa];
	s0 =	sor.u32 $0x1C06, s0;
	s4 =	sshrl.u32 s4, $0x3  }
0x15e: {  	[hbm:s8], [sflag:s0] =	dma.local [spmem:s4], $0x2800  }
0x15f: {  	_ =	swait.ge [sflag:s30], $0x2800  }
0x160: {  	[sflag:s30] =	ssyncset.done $0x0;
	s10 =	rddreg [dreg:$0x17]  }
.Ltmp7:
0x161: {  	s13 =	rddreg [dreg:$0x1a];
	[sflag:s30] =	ssyncadd.s32 $0xFFFFD800;
	(pc) =	sbr.rel .LBB2_14-.Ltmp7, $4  }
0x162: {  	[hbm:s10], [sflag:s0] =	dma.local [spmem:s13], $0x500  }
0x163: {  	_ =	swait.ge [sflag:s30], $0x500  }
0x164: {  	[sflag:s30] =	ssyncset.done $0x0  }
0x165: {  	s4 =	rddreg [dreg:$0x1b];
	[sflag:s30] =	ssyncadd.s32 $0xFFFFFB00  }
.LBB2_10:
0x166: {  	p1 =	sne.s32 s0, $0x0  }
0x167: {  	s4 =	simm.s32 @p1 $0x5  }
0x168: {  	_ =	swait.ge @p1 [sflag:s4], $0x7D0  }
0x169: {  	[sflag:s4] =	ssyncset.done @p1 $0x0  }
0x16a: {  	s8 =	simm.s32 @!p1 $0x16800;
	[sflag:s4] =	ssyncadd.s32 @p1 $0xFFFFF830;
	s4 =	simm.s32 @!p1 $0x0  }
0x16b: {  	[tilespmem:s8], [sflag:$0x6] =	stream.linear.gather @!p1 [hbm4b:s28+s4], $0x7D0, $0x38;
	[tilespmem:$0x1F4A0] =	vst v63  }
0x16c: {  	s8 =	simm.s32 @!p1 $0x6  }
0x16d: {  	_ =	swait.ge @!p1 [sflag:s8], $0x7D0  }
0x16e: {  	[sflag:s8] =	ssyncset.done @!p1 $0x0  }
0x16f: {  	s10 =	simm.s32 @!p1 $0x16FD0;
	[sflag:s8] =	ssyncadd.s32 @!p1 $0xFFFFF830;
	s8 =	simm.s32 @p1 $0x5  }
0x170: {  	[tilespmem:s10], [sflag:$0x6] =	stream.linear.gather @!p1 [hbm4b:s29+s4], $0x7D0, $0x38;
	[tilespmem:$0x1F4A0] =	vst v63  }
0x171: {  	_ =	swait.ge [sflag:s8], $0x7D0  }
0x172: {  	[sflag:s8] =	ssyncset.done $0x0  }
0x173: {  	[sflag:s8] =	ssyncadd.s32 $0xFFFFF830  }
0x174: {  	[tilespmem:s31], [sflag:$0x1] =	stream.indirect.gather [hbm4b:s6+s3], $0x80, s9, s3, $0xb8;
	[tilespmem:$0x1F4A0] =	vst v63  }
0x175: {  	s10 =	simm.s32 $0x16850  }
0x176: {  	[tilespmem:s11], [sflag:$0x2] =	stream.indirect.gather [hbm4b:s6+s3], $0x80, s10, s3, $0xb8;
	[tilespmem:$0x1F4A0] =	vst v63  }
0x177: {  	_ =	swait.ge [sflag:s12], $0x2800  }
0x178: {  	[sflag:s12] =	ssyncset.done $0x0  }
0x179: {  	s13 =	simm.s32 $0x168A0;
	[sflag:s12] =	ssyncadd.s32 $0xFFFFD800  }
0x17a: {  	[tilespmem:s14], [sflag:$0x3] =	stream.indirect.gather [hbm4b:s6+s3], $0x80, s13, s3, $0xb8;
	[tilespmem:$0x1F4A0] =	vst v63  }
0x17b: {  	s13 =	simm.s32 $0x16FD0  }
0x17c: {  	[spmem:s1] =	stream.indirect.scatter.add.f32 [tilespmem:s31], [sflag:$0x6], $0x80, s13, s3, $0xb8;
	[tilespmem:$0x1F4A0] =	vst v63  }
0x17d: {  	_ =	swait.ge [sflag:s30], $0x2800  }
0x17e: {  	[sflag:s30] =	ssyncset.done $0x0  }
0x17f: {  	[sflag:s30] =	ssyncadd.s32 $0xFFFFD800  }
0x180: {  	_ =	swait.ge [sflag:s16], $0x2800  }
0x181: {  	[sflag:s16] =	ssyncset.done $0x0  }
0x182: {  	s8 =	simm.s32 $0x168F0;
	[sflag:s16] =	ssyncadd.s32 $0xFFFFD800  }
0x183: {  	[tilespmem:s31], [sflag:$0x1] =	stream.indirect.gather [hbm4b:s6+s3], $0x80, s8, s3, $0xb8;
	[tilespmem:$0x1F4A0] =	vst v63  }
0x184: {  	s10 =	simm.s32 $0x17020  }
0x185: {  	[spmem:s1] =	stream.indirect.scatter.add.f32 [tilespmem:s11], [sflag:$0x6], $0x80, s10, s3, $0xb8;
	[tilespmem:$0x1F4A0] =	vst v63  }
0x186: {  	_ =	swait.ge [sflag:s30], $0x2800  }
0x187: {  	[sflag:s30] =	ssyncset.done $0x0  }
0x188: {  	[sflag:s30] =	ssyncadd.s32 $0xFFFFD800  }
0x189: {  	_ =	swait.ge [sflag:s17], $0x2800  }
0x18a: {  	[sflag:s17] =	ssyncset.done $0x0  }
0x18b: {  	s8 =	simm.s32 $0x16940;
	[sflag:s17] =	ssyncadd.s32 $0xFFFFD800  }
0x18c: {  	[tilespmem:s11], [sflag:$0x2] =	stream.indirect.gather [hbm4b:s6+s3], $0x80, s8, s3, $0xb8;
	[tilespmem:$0x1F4A0] =	vst v63  }
0x18d: {  	s10 =	simm.s32 $0x17070  }
0x18e: {  	[spmem:s1] =	stream.indirect.scatter.add.f32 [tilespmem:s14], [sflag:$0x6], $0x80, s10, s3, $0xb8;
	[tilespmem:$0x1F4A0] =	vst v63  }
0x18f: {  	_ =	swait.ge [sflag:s30], $0x2800  }
0x190: {  	[sflag:s30] =	ssyncset.done $0x0  }
0x191: {  	[sflag:s30] =	ssyncadd.s32 $0xFFFFD800  }
0x192: {  	_ =	swait.ge [sflag:s12], $0x2800  }
0x193: {  	[sflag:s12] =	ssyncset.done $0x0  }
0x194: {  	s8 =	simm.s32 $0x16990;
	[sflag:s12] =	ssyncadd.s32 $0xFFFFD800  }
0x195: {  	[tilespmem:s14], [sflag:$0x3] =	stream.indirect.gather [hbm4b:s6+s3], $0x80, s8, s3, $0xb8;
	[tilespmem:$0x1F4A0] =	vst v63  }
0x196: {  	s10 =	simm.s32 $0x170C0  }
0x197: {  	[spmem:s1] =	stream.indirect.scatter.add.f32 [tilespmem:s31], [sflag:$0x6], $0x80, s10, s3, $0xb8;
	[tilespmem:$0x1F4A0] =	vst v63  }
0x198: {  	_ =	swait.ge [sflag:s30], $0x2800  }
0x199: {  	[sflag:s30] =	ssyncset.done $0x0  }
0x19a: {  	[sflag:s30] =	ssyncadd.s32 $0xFFFFD800  }
0x19b: {  	_ =	swait.ge [sflag:s16], $0x2800  }
0x19c: {  	[sflag:s16] =	ssyncset.done $0x0  }
0x19d: {  	s8 =	simm.s32 $0x169E0;
	[sflag:s16] =	ssyncadd.s32 $0xFFFFD800  }
0x19e: {  	[tilespmem:s31], [sflag:$0x1] =	stream.indirect.gather [hbm4b:s6+s3], $0x80, s8, s3, $0xb8;
	[tilespmem:$0x1F4A0] =	vst v63  }
0x19f: {  	s10 =	simm.s32 $0x17110  }
0x1a0: {  	[spmem:s1] =	stream.indirect.scatter.add.f32 [tilespmem:s11], [sflag:$0x6], $0x80, s10, s3, $0xb8;
	[tilespmem:$0x1F4A0] =	vst v63  }
0x1a1: {  	_ =	swait.ge [sflag:s30], $0x2800  }
0x1a2: {  	[sflag:s30] =	ssyncset.done $0x0  }
0x1a3: {  	[sflag:s30] =	ssyncadd.s32 $0xFFFFD800  }
0x1a4: {  	_ =	swait.ge [sflag:s17], $0x2800  }
0x1a5: {  	[sflag:s17] =	ssyncset.done $0x0  }
0x1a6: {  	s8 =	simm.s32 $0x16A30;
	[sflag:s17] =	ssyncadd.s32 $0xFFFFD800  }
0x1a7: {  	[tilespmem:s11], [sflag:$0x2] =	stream.indirect.gather [hbm4b:s6+s3], $0x80, s8, s3, $0xb8;
	[tilespmem:$0x1F4A0] =	vst v63  }
0x1a8: {  	s10 =	simm.s32 $0x17160  }
0x1a9: {  	[spmem:s1] =	stream.indirect.scatter.add.f32 [tilespmem:s14], [sflag:$0x6], $0x80, s10, s3, $0xb8;
	[tilespmem:$0x1F4A0] =	vst v63  }
0x1aa: {  	_ =	swait.ge [sflag:s30], $0x2800  }
0x1ab: {  	[sflag:s30] =	ssyncset.done $0x0  }
0x1ac: {  	[sflag:s30] =	ssyncadd.s32 $0xFFFFD800  }
0x1ad: {  	_ =	swait.ge [sflag:s12], $0x2800  }
0x1ae: {  	[sflag:s12] =	ssyncset.done $0x0  }
0x1af: {  	s8 =	simm.s32 $0x16A80;
	[sflag:s12] =	ssyncadd.s32 $0xFFFFD800  }
0x1b0: {  	[tilespmem:s14], [sflag:$0x3] =	stream.indirect.gather [hbm4b:s6+s3], $0x80, s8, s3, $0xb8;
	[tilespmem:$0x1F4A0] =	vst v63  }
0x1b1: {  	s10 =	simm.s32 $0x171B0  }
0x1b2: {  	[spmem:s1] =	stream.indirect.scatter.add.f32 [tilespmem:s31], [sflag:$0x6], $0x80, s10, s3, $0xb8;
	[tilespmem:$0x1F4A0] =	vst v63  }
0x1b3: {  	_ =	swait.ge [sflag:s30], $0x2800  }
0x1b4: {  	[sflag:s30] =	ssyncset.done $0x0  }
0x1b5: {  	[sflag:s30] =	ssyncadd.s32 $0xFFFFD800  }
0x1b6: {  	_ =	swait.ge [sflag:s16], $0x2800  }
0x1b7: {  	[sflag:s16] =	ssyncset.done $0x0  }
0x1b8: {  	s8 =	simm.s32 $0x16AD0;
	[sflag:s16] =	ssyncadd.s32 $0xFFFFD800  }
0x1b9: {  	[tilespmem:s31], [sflag:$0x1] =	stream.indirect.gather [hbm4b:s6+s3], $0x80, s8, s3, $0xb8;
	[tilespmem:$0x1F4A0] =	vst v63  }
0x1ba: {  	s10 =	simm.s32 $0x17200  }
0x1bb: {  	[spmem:s1] =	stream.indirect.scatter.add.f32 [tilespmem:s11], [sflag:$0x6], $0x80, s10, s3, $0xb8;
	[tilespmem:$0x1F4A0] =	vst v63  }
0x1bc: {  	_ =	swait.ge [sflag:s30], $0x2800  }
0x1bd: {  	[sflag:s30] =	ssyncset.done $0x0  }
0x1be: {  	[sflag:s30] =	ssyncadd.s32 $0xFFFFD800  }
0x1bf: {  	_ =	swait.ge [sflag:s17], $0x2800  }
0x1c0: {  	[sflag:s17] =	ssyncset.done $0x0  }
0x1c1: {  	s8 =	simm.s32 $0x16B20;
	[sflag:s17] =	ssyncadd.s32 $0xFFFFD800  }
0x1c2: {  	[tilespmem:s11], [sflag:$0x2] =	stream.indirect.gather [hbm4b:s6+s3], $0x80, s8, s3, $0xb8;
	[tilespmem:$0x1F4A0] =	vst v63  }
0x1c3: {  	s10 =	simm.s32 $0x17250  }
0x1c4: {  	[spmem:s1] =	stream.indirect.scatter.add.f32 [tilespmem:s14], [sflag:$0x6], $0x80, s10, s3, $0xb8;
	[tilespmem:$0x1F4A0] =	vst v63  }
0x1c5: {  	_ =	swait.ge [sflag:s30], $0x2800  }
0x1c6: {  	[sflag:s30] =	ssyncset.done $0x0  }
0x1c7: {  	[sflag:s30] =	ssyncadd.s32 $0xFFFFD800  }
0x1c8: {  	_ =	swait.ge [sflag:s12], $0x2800  }
0x1c9: {  	[sflag:s12] =	ssyncset.done $0x0  }
0x1ca: {  	s8 =	simm.s32 $0x16B70;
	[sflag:s12] =	ssyncadd.s32 $0xFFFFD800  }
0x1cb: {  	[tilespmem:s14], [sflag:$0x3] =	stream.indirect.gather [hbm4b:s6+s3], $0x80, s8, s3, $0xb8;
	[tilespmem:$0x1F4A0] =	vst v63  }
0x1cc: {  	s10 =	simm.s32 $0x172A0  }
0x1cd: {  	[spmem:s1] =	stream.indirect.scatter.add.f32 [tilespmem:s31], [sflag:$0x6], $0x80, s10, s3, $0xb8;
	[tilespmem:$0x1F4A0] =	vst v63  }
0x1ce: {  	_ =	swait.ge [sflag:s30], $0x2800  }
0x1cf: {  	[sflag:s30] =	ssyncset.done $0x0  }
0x1d0: {  	[sflag:s30] =	ssyncadd.s32 $0xFFFFD800  }
0x1d1: {  	_ =	swait.ge [sflag:s16], $0x2800  }
0x1d2: {  	[sflag:s16] =	ssyncset.done $0x0  }
0x1d3: {  	s8 =	simm.s32 $0x16BC0;
	[sflag:s16] =	ssyncadd.s32 $0xFFFFD800  }
0x1d4: {  	[tilespmem:s31], [sflag:$0x1] =	stream.indirect.gather [hbm4b:s6+s3], $0x80, s8, s3, $0xb8;
	[tilespmem:$0x1F4A0] =	vst v63  }
0x1d5: {  	s10 =	simm.s32 $0x172F0  }
0x1d6: {  	[spmem:s1] =	stream.indirect.scatter.add.f32 [tilespmem:s11], [sflag:$0x6], $0x80, s10, s3, $0xb8;
	[tilespmem:$0x1F4A0] =	vst v63  }
0x1d7: {  	_ =	swait.ge [sflag:s30], $0x2800  }
0x1d8: {  	[sflag:s30] =	ssyncset.done $0x0  }
0x1d9: {  	[sflag:s30] =	ssyncadd.s32 $0xFFFFD800  }
0x1da: {  	_ =	swait.ge [sflag:s17], $0x2800  }
0x1db: {  	[sflag:s17] =	ssyncset.done $0x0  }
0x1dc: {  	s8 =	simm.s32 $0x16C10;
	[sflag:s17] =	ssyncadd.s32 $0xFFFFD800  }
0x1dd: {  	[tilespmem:s11], [sflag:$0x2] =	stream.indirect.gather [hbm4b:s6+s3], $0x80, s8, s3, $0xb8;
	[tilespmem:$0x1F4A0] =	vst v63  }
0x1de: {  	s10 =	simm.s32 $0x17340  }
0x1df: {  	[spmem:s1] =	stream.indirect.scatter.add.f32 [tilespmem:s14], [sflag:$0x6], $0x80, s10, s3, $0xb8;
	[tilespmem:$0x1F4A0] =	vst v63  }
0x1e0: {  	_ =	swait.ge [sflag:s30], $0x2800  }
0x1e1: {  	[sflag:s30] =	ssyncset.done $0x0  }
0x1e2: {  	[sflag:s30] =	ssyncadd.s32 $0xFFFFD800  }
0x1e3: {  	_ =	swait.ge [sflag:s12], $0x2800  }
0x1e4: {  	[sflag:s12] =	ssyncset.done $0x0  }
0x1e5: {  	s8 =	simm.s32 $0x16C60;
	[sflag:s12] =	ssyncadd.s32 $0xFFFFD800  }
0x1e6: {  	[tilespmem:s14], [sflag:$0x3] =	stream.indirect.gather [hbm4b:s6+s3], $0x80, s8, s3, $0xb8;
	[tilespmem:$0x1F4A0] =	vst v63  }
0x1e7: {  	s10 =	simm.s32 $0x17390  }
0x1e8: {  	[spmem:s1] =	stream.indirect.scatter.add.f32 [tilespmem:s31], [sflag:$0x6], $0x80, s10, s3, $0xb8;
	[tilespmem:$0x1F4A0] =	vst v63  }
0x1e9: {  	_ =	swait.ge [sflag:s30], $0x2800  }
0x1ea: {  	[sflag:s30] =	ssyncset.done $0x0  }
0x1eb: {  	[sflag:s30] =	ssyncadd.s32 $0xFFFFD800  }
0x1ec: {  	_ =	swait.ge [sflag:s16], $0x2800  }
0x1ed: {  	[sflag:s16] =	ssyncset.done $0x0  }
0x1ee: {  	s8 =	simm.s32 $0x16CB0;
	[sflag:s16] =	ssyncadd.s32 $0xFFFFD800  }
0x1ef: {  	[tilespmem:s31], [sflag:$0x1] =	stream.indirect.gather [hbm4b:s6+s3], $0x80, s8, s3, $0xb8;
	[tilespmem:$0x1F4A0] =	vst v63  }
0x1f0: {  	s10 =	simm.s32 $0x173E0  }
0x1f1: {  	[spmem:s1] =	stream.indirect.scatter.add.f32 [tilespmem:s11], [sflag:$0x6], $0x80, s10, s3, $0xb8;
	[tilespmem:$0x1F4A0] =	vst v63  }
0x1f2: {  	_ =	swait.ge [sflag:s30], $0x2800  }
0x1f3: {  	[sflag:s30] =	ssyncset.done $0x0  }
0x1f4: {  	[sflag:s30] =	ssyncadd.s32 $0xFFFFD800  }
0x1f5: {  	_ =	swait.ge [sflag:s17], $0x2800  }
0x1f6: {  	[sflag:s17] =	ssyncset.done $0x0  }
0x1f7: {  	s8 =	simm.s32 $0x16D00;
	[sflag:s17] =	ssyncadd.s32 $0xFFFFD800  }
0x1f8: {  	[tilespmem:s11], [sflag:$0x2] =	stream.indirect.gather [hbm4b:s6+s3], $0x80, s8, s3, $0xb8;
	[tilespmem:$0x1F4A0] =	vst v63  }
0x1f9: {  	s10 =	simm.s32 $0x17430  }
0x1fa: {  	[spmem:s1] =	stream.indirect.scatter.add.f32 [tilespmem:s14], [sflag:$0x6], $0x80, s10, s3, $0xb8;
	[tilespmem:$0x1F4A0] =	vst v63  }
0x1fb: {  	_ =	swait.ge [sflag:s30], $0x2800  }
0x1fc: {  	[sflag:s30] =	ssyncset.done $0x0  }
0x1fd: {  	[sflag:s30] =	ssyncadd.s32 $0xFFFFD800  }
0x1fe: {  	_ =	swait.ge [sflag:s12], $0x2800  }
0x1ff: {  	[sflag:s12] =	ssyncset.done $0x0  }
0x200: {  	s8 =	simm.s32 $0x16D50;
	[sflag:s12] =	ssyncadd.s32 $0xFFFFD800  }
0x201: {  	[tilespmem:s14], [sflag:$0x3] =	stream.indirect.gather [hbm4b:s6+s3], $0x80, s8, s3, $0xb8;
	[tilespmem:$0x1F4A0] =	vst v63  }
0x202: {  	s10 =	simm.s32 $0x17480  }
0x203: {  	[spmem:s1] =	stream.indirect.scatter.add.f32 [tilespmem:s31], [sflag:$0x6], $0x80, s10, s3, $0xb8;
	[tilespmem:$0x1F4A0] =	vst v63  }
0x204: {  	_ =	swait.ge [sflag:s30], $0x2800  }
0x205: {  	[sflag:s30] =	ssyncset.done $0x0  }
0x206: {  	[sflag:s30] =	ssyncadd.s32 $0xFFFFD800  }
0x207: {  	_ =	swait.ge [sflag:s16], $0x2800  }
0x208: {  	[sflag:s16] =	ssyncset.done $0x0  }
0x209: {  	s8 =	simm.s32 $0x16DA0;
	[sflag:s16] =	ssyncadd.s32 $0xFFFFD800  }
0x20a: {  	[tilespmem:s31], [sflag:$0x1] =	stream.indirect.gather [hbm4b:s6+s3], $0x80, s8, s3, $0xb8;
	[tilespmem:$0x1F4A0] =	vst v63  }
0x20b: {  	s10 =	simm.s32 $0x174D0  }
0x20c: {  	[spmem:s1] =	stream.indirect.scatter.add.f32 [tilespmem:s11], [sflag:$0x6], $0x80, s10, s3, $0xb8;
	[tilespmem:$0x1F4A0] =	vst v63  }
0x20d: {  	_ =	swait.ge [sflag:s30], $0x2800  }
0x20e: {  	[sflag:s30] =	ssyncset.done $0x0  }
0x20f: {  	[sflag:s30] =	ssyncadd.s32 $0xFFFFD800  }
0x210: {  	_ =	swait.ge [sflag:s17], $0x2800  }
0x211: {  	[sflag:s17] =	ssyncset.done $0x0  }
0x212: {  	s8 =	simm.s32 $0x16DF0;
	[sflag:s17] =	ssyncadd.s32 $0xFFFFD800  }
0x213: {  	[tilespmem:s11], [sflag:$0x2] =	stream.indirect.gather [hbm4b:s6+s3], $0x80, s8, s3, $0xb8;
	[tilespmem:$0x1F4A0] =	vst v63  }
0x214: {  	s10 =	simm.s32 $0x17520  }
0x215: {  	[spmem:s1] =	stream.indirect.scatter.add.f32 [tilespmem:s14], [sflag:$0x6], $0x80, s10, s3, $0xb8;
	[tilespmem:$0x1F4A0] =	vst v63  }
0x216: {  	_ =	swait.ge [sflag:s30], $0x2800  }
0x217: {  	[sflag:s30] =	ssyncset.done $0x0  }
0x218: {  	[sflag:s30] =	ssyncadd.s32 $0xFFFFD800  }
0x219: {  	_ =	swait.ge [sflag:s12], $0x2800  }
0x21a: {  	[sflag:s12] =	ssyncset.done $0x0  }
0x21b: {  	s8 =	simm.s32 $0x16E40;
	[sflag:s12] =	ssyncadd.s32 $0xFFFFD800  }
0x21c: {  	[tilespmem:s14], [sflag:$0x3] =	stream.indirect.gather [hbm4b:s6+s3], $0x80, s8, s3, $0xb8;
	[tilespmem:$0x1F4A0] =	vst v63  }
0x21d: {  	s10 =	simm.s32 $0x17570  }
0x21e: {  	[spmem:s1] =	stream.indirect.scatter.add.f32 [tilespmem:s31], [sflag:$0x6], $0x80, s10, s3, $0xb8;
	[tilespmem:$0x1F4A0] =	vst v63  }
0x21f: {  	_ =	swait.ge [sflag:s30], $0x2800  }
0x220: {  	[sflag:s30] =	ssyncset.done $0x0  }
0x221: {  	[sflag:s30] =	ssyncadd.s32 $0xFFFFD800  }
0x222: {  	_ =	swait.ge [sflag:s16], $0x2800  }
0x223: {  	[sflag:s16] =	ssyncset.done $0x0  }
0x224: {  	s8 =	simm.s32 $0x16E90;
	[sflag:s16] =	ssyncadd.s32 $0xFFFFD800  }
0x225: {  	[tilespmem:s31], [sflag:$0x1] =	stream.indirect.gather [hbm4b:s6+s3], $0x80, s8, s3, $0xb8;
	[tilespmem:$0x1F4A0] =	vst v63  }
0x226: {  	s10 =	simm.s32 $0x175C0  }
0x227: {  	[spmem:s1] =	stream.indirect.scatter.add.f32 [tilespmem:s11], [sflag:$0x6], $0x80, s10, s3, $0xb8;
	[tilespmem:$0x1F4A0] =	vst v63  }
0x228: {  	_ =	swait.ge [sflag:s30], $0x2800  }
0x229: {  	[sflag:s30] =	ssyncset.done $0x0  }
0x22a: {  	[sflag:s30] =	ssyncadd.s32 $0xFFFFD800  }
0x22b: {  	_ =	swait.ge [sflag:s17], $0x2800  }
0x22c: {  	[sflag:s17] =	ssyncset.done $0x0  }
0x22d: {  	s8 =	simm.s32 $0x16EE0;
	[sflag:s17] =	ssyncadd.s32 $0xFFFFD800  }
0x22e: {  	[tilespmem:s11], [sflag:$0x2] =	stream.indirect.gather [hbm4b:s6+s3], $0x80, s8, s3, $0xb8;
	[tilespmem:$0x1F4A0] =	vst v63  }
0x22f: {  	s10 =	simm.s32 $0x17610  }
0x230: {  	[spmem:s1] =	stream.indirect.scatter.add.f32 [tilespmem:s14], [sflag:$0x6], $0x80, s10, s3, $0xb8;
	[tilespmem:$0x1F4A0] =	vst v63  }
0x231: {  	_ =	swait.ge [sflag:s30], $0x2800  }
0x232: {  	[sflag:s30] =	ssyncset.done $0x0  }
0x233: {  	[sflag:s30] =	ssyncadd.s32 $0xFFFFD800  }
0x234: {  	_ =	swait.ge [sflag:s12], $0x2800  }
0x235: {  	[sflag:s12] =	ssyncset.done $0x0  }
0x236: {  	[sflag:s12] =	ssyncadd.s32 $0xFFFFD800  }
0x237: {  	[tilespmem:s14], [sflag:$0x3] =	stream.indirect.gather [hbm4b:s6+s3], $0x80, s18, s3, $0xb8;
	[tilespmem:$0x1F4A0] =	vst v63  }
0x238: {  	_ = 	snop  }
0x239: {  	[spmem:s1] =	stream.indirect.scatter.add.f32 [tilespmem:s31], [sflag:$0x6], $0x80, s19, s3, $0xb8;
	[tilespmem:$0x1F4A0] =	vst v63  }
0x23a: {  	_ =	swait.ge [sflag:s30], $0x2800  }
0x23b: {  	[sflag:s30] =	ssyncset.done $0x0  }
0x23c: {  	[sflag:s30] =	ssyncadd.s32 $0xFFFFD800  }
0x23d: {  	_ =	swait.ge [sflag:s16], $0x2800  }
0x23e: {  	[sflag:s16] =	ssyncset.done $0x0  }
0x23f: {  	[sflag:s16] =	ssyncadd.s32 $0xFFFFD800  }
0x240: {  	[tilespmem:s31], [sflag:$0x1] =	stream.indirect.gather [hbm4b:s6+s3], $0x80, s20, s3, $0xb8;
	[tilespmem:$0x1F4A0] =	vst v63  }
0x241: {  	_ = 	snop  }
0x242: {  	[spmem:s1] =	stream.indirect.scatter.add.f32 [tilespmem:s11], [sflag:$0x6], $0x80, s22, s3, $0xb8;
	[tilespmem:$0x1F4A0] =	vst v63  }
0x243: {  	_ =	swait.ge [sflag:s30], $0x2800  }
0x244: {  	[sflag:s30] =	ssyncset.done $0x0  }
0x245: {  	[sflag:s30] =	ssyncadd.s32 $0xFFFFD800  }
0x246: {  	_ =	swait.ge [sflag:s17], $0x2800  }
0x247: {  	[sflag:s17] =	ssyncset.done $0x0  }
0x248: {  	[sflag:s17] =	ssyncadd.s32 $0xFFFFD800  }
0x249: {  	[spmem:s1] =	stream.indirect.scatter.add.f32 [tilespmem:s14], [sflag:$0x6], $0x80, s23, s3, $0xb8;
	[tilespmem:$0x1F4A0] =	vst v63  }
0x24a: {  	p1 =	sne.s32 s0, $0x3E8;
	_ =	swait.ge [sflag:s30], $0x2800  }
.Ltmp8:
0x24b: {  	[sflag:s30] =	ssyncset.done $0x0;
	(pc) =	sbr.rel @!p1 .LBB2_11-.Ltmp8, $4  }
0x24c: {  	[sflag:s30] =	ssyncadd.s32 $0xFFFFD800  }
0x24d: {  	_ =	swait.ge [sflag:s12], $0x2800  }
0x24e: {  	[sflag:s12] =	ssyncset.done $0x0  }
0x24f: {  	[sflag:s12] =	ssyncadd.s32 $0xFFFFD800  }
0x250: {  	s4 =	rddreg [dreg:$0x19]  }
0x251: {  	s4 =	sadd.s32 s0, s4  }
0x252: {  	s10 =	simm.s32 $0x0;
	s0 =	sadd.s32 $0xFA, s0;
	s8 =	sadd.s32 $0xFA, s4  }
0x253: {  	[tilespmem:s9], [sflag:$0x5] =	stream.linear.gather [hbm4b:s8+s10], $0x7D0, $0x38;
	[tilespmem:$0x1F4A0] =	vst v63  }
0x254: {  	p1 =	sne.s32 s0, $0x4E2  }
0x255: {  	[spmem:s1] =	stream.indirect.scatter.add.f32 [tilespmem:s31], [sflag:$0x6], $0x80, s24, s3, $0xb8;
	[tilespmem:$0x1F4A0] =	vst v63  }
.Ltmp9:
0x256: {  	_ = 	snop;
	(pc) =	sbr.rel @p1 .LBB2_10-.Ltmp9, $4  }
.Ltmp10:
0x257: {  	_ =	swait.ge [sflag:s30], $0x2800;
	(pc) =	sbr.rel @!p1 .LBB2_13-.Ltmp10, $4  }
0x258: {  	[sflag:s30] =	ssyncset.done $0x0  }
0x259: {  	s4 =	sadd.s32 $0x4F1A, s4;
	[sflag:s30] =	ssyncadd.s32 $0xFFFFD800  }
0x25a: {  	[tilespmem:s13], [sflag:$0x5] =	stream.linear.gather [hbm4b:s4+s10], $0x7D0, $0x38;
	[tilespmem:$0x1F4A0] =	vst v63  }
0x25b: {  	_ = 	snop  }
.LBB2_15:
0x25c: {  	_ =	sfence.sel $0x180000  }
0x25d: {  	[bflag:$0x0] =	sbarrier.arrive $0xFFFF  }
0x25e: {  	_ =	strace $0x90000047  }
0x25f: {  	s0 =	stileid.u32;
	[bflag:$0x2] =	sbarrier.arrive $0xFFFF  }
0x260: {  	p0 =	sne.s32 s0, $0x0;
	s0 =	rddreg [dreg:$0x4]  }
0x261: {  	s0 =	sadd.s32 @!p0 $0x100000, s0  }
0x262: {  	[sflag:s0] =	ssyncadd.tile.s32 @!p0 $0x1;
	_ =	shalt  }
.Lfunc_end2:
_tile_overlayer_lowered:
.L_overlay_start_2:
0x263: {  	(tag) =	ssettag $0x2  }
0x264: {  	s0 =	rddreg [dreg:$0x0];
	s2 =	stileid.u32  }
0x265: {  	s1 =	rddreg [dreg:$0x1];
	p0 =	sne.s32 s2, $0x0  }
0x266: {  	s3 =	rddreg [dreg:$0x2];
	[bflag:$0x3] =	sbarrier.arrive $0xFFFF;
	s2 =	simm.s32 @!p0 $0x1C06  }
0x267: {  	[timem:s3], [sflag:s2] =	dma.local @!p0 [hbm:s0], s1  }
0x268: {  	s0 =	simm.s32 @!p0 $0x6  }
0x269: {  	_ =	swait.ge @!p0 [sflag:s0], s1  }
0x26a: {  	s1 =	ssub.s32 @!p0 $0x0, s1;
	[sflag:s0] =	ssyncset.done @!p0 $0x0  }
0x26b: {  	[sflag:s0] =	ssyncadd.s32 @!p0 s1  }
0x26c: {  	[bflag:$0x3] =	sbarrier.arrive $0xFFFF  }
0x26d: {  	_ =	shalt  }

</sc_bundles>
